<compile_context>
chip_gen: v7x
topology: tpu7x:2x2x1
jax: 0.10.2.dev20260603
libtpu: 0.0.44.dev20260713+nightly
codegen_flags: <defaults>
</compile_context>

<pallas_src>
import functools

import jax
import jax.numpy as jnp
from jax import lax
from jax.experimental import pallas as pl
from jax.experimental.pallas import tpu as pltpu
from jax.experimental.pallas import tpu_sc as plsc

H = 768
NC = 2
NS = 16
NW = NC * NS
POS2D = 1024


def _sc_words_body(ids_hbm, word_tab, words_out,
                   idx, gbuf, gsem0, gsem1, ssem0, ssem1,
                   *, n_tokens, t_chunk):
    tpw = n_tokens // NW
    nch = tpw // t_chunk
    wid = lax.axis_index("s") * NC + lax.axis_index("c")
    base = wid * tpw
    gsems = (gsem0, gsem1)
    ssems = (ssem0, ssem1)

    pltpu.sync_copy(ids_hbm.at[pl.ds(base, tpw)], idx)

    def fire(c, p):
        pltpu.async_copy(
            word_tab.at[idx.at[pl.ds(c * t_chunk, t_chunk)]],
            gbuf.at[p], gsems[p])

    def wait(p):
        pltpu.make_async_copy(
            word_tab.at[idx.at[pl.ds(0, t_chunk)]],
            gbuf.at[p], gsems[p]).wait()

    fire(0, 0)
    fire(1, 1)

    @pl.loop(0, nch // 2)
    def _super(sc):
        for p in range(2):
            c = sc * 2 + p
            wait(p)
            dst = pl.ds(base + c * t_chunk, t_chunk)
            st = pltpu.async_copy(gbuf.at[p], words_out.at[dst], ssems[p])
            st.wait()

            @pl.when(c + 2 < nch)
            def _():
                fire(c + 2, p)


def _make_sc_words(n_tokens, t_chunk=16):
    body = functools.partial(_sc_words_body, n_tokens=n_tokens,
                             t_chunk=t_chunk)
    return pl.kernel(
        body,
        out_type=jax.ShapeDtypeStruct((n_tokens, H), jnp.float32),
        mesh=plsc.VectorSubcoreMesh(core_axis_name="c", subcore_axis_name="s"),
        scratch_types=(
            pltpu.VMEM((n_tokens // NW,), jnp.int32),
            pltpu.VMEM((2, t_chunk, H), jnp.float32),
            pltpu.SemaphoreType.DMA, pltpu.SemaphoreType.DMA,
            pltpu.SemaphoreType.DMA, pltpu.SemaphoreType.DMA,
        ),
    )


def _tc_body(words_ref, x0_ref, y1_ref, x2_ref, y3_ref,
             xt_ref, yt_ref, ht_ref, wt_ref, sc_ref,
             pos_ref, tte_ref, w1_ref, b1_ref, w2_ref, b2_ref,
             g_ref, bb_ref, out_ref, *, tb):
    x0 = x0_ref[0]
    y1 = y1_ref[0]
    x2 = x2_ref[0]
    y3 = y3_ref[0]
    hh = jnp.abs(y3 - y1)
    ww = jnp.abs(x2 - x0)

    rows = lax.broadcasted_iota(jnp.int16, (POS2D, tb), 0)

    def onehot_t(v):
        return (v.astype(jnp.int16) == rows).astype(jnp.int16)

    dn = (((0,), (0,)), ((), ()))
    acc = lax.dot_general((onehot_t(x0) + onehot_t(x2)).astype(jnp.int8),
                          xt_ref[...], dn,
                          preferred_element_type=jnp.int32)
    acc += lax.dot_general((onehot_t(y1) + onehot_t(y3)).astype(jnp.int8),
                           yt_ref[...], dn,
                           preferred_element_type=jnp.int32)
    acc += lax.dot_general(onehot_t(hh).astype(jnp.int8), ht_ref[...], dn,
                           preferred_element_type=jnp.int32)
    acc += lax.dot_general(onehot_t(ww).astype(jnp.int8), wt_ref[...], dn,
                           preferred_element_type=jnp.int32)
    spatial = acc.astype(jnp.float32) * sc_ref[0:1, 0:1]

    h = lax.dot_general(spatial.astype(jnp.bfloat16), w1_ref[...],
                        (((1,), (1,)), ((), ())),
                        preferred_element_type=jnp.float32)
    h = jnp.maximum(h + b1_ref[...], 0.0)
    t = lax.dot_general(h.astype(jnp.bfloat16), w2_ref[...],
                        (((1,), (1,)), ((), ())),
                        preferred_element_type=jnp.float32)
    e = words_ref[...] + pos_ref[...] + (t + b2_ref[...]) + tte_ref[0:1, :]
    ones = jnp.ones((H, 128), jnp.bfloat16)
    rdn = (((1,), (0,)), ((), ()))
    mu = lax.dot_general(e.astype(jnp.bfloat16), ones, rdn,
                         preferred_element_type=jnp.float32)[:, 0:1] * (1.0 / H)
    ec = e - mu
    var = lax.dot_general((ec * ec).astype(jnp.bfloat16), ones, rdn,
                          preferred_element_type=jnp.float32)[:, 0:1] * (1.0 / H)
    out_ref[...] = ec * lax.rsqrt(var + 1e-12) * g_ref[...] + bb_ref[...]


def _make_tc(n_tokens, seq, tb=1024):
    n_blocks = n_tokens // tb
    pos_blocks = seq // tb
    per_pos = n_blocks // pos_blocks
    tmap = lambda i: lax.rem(i, per_pos) * pos_blocks + lax.div(i, per_pos)
    full = lambda i: (0, 0)
    body = functools.partial(_tc_body, tb=tb)
    return pl.pallas_call(
        body,
        grid=(n_blocks,),
        in_specs=[
            pl.BlockSpec((tb, H), lambda i: (tmap(i), 0)),
            pl.BlockSpec((1, 1, tb), lambda i: (tmap(i), 0, 0)),
            pl.BlockSpec((1, 1, tb), lambda i: (tmap(i), 0, 0)),
            pl.BlockSpec((1, 1, tb), lambda i: (tmap(i), 0, 0)),
            pl.BlockSpec((1, 1, tb), lambda i: (tmap(i), 0, 0)),
            pl.BlockSpec((POS2D, H), full),
            pl.BlockSpec((POS2D, H), full),
            pl.BlockSpec((POS2D, H), full),
            pl.BlockSpec((POS2D, H), full),
            pl.BlockSpec((1, 1), full),
            pl.BlockSpec((tb, H), lambda i: (lax.div(i, per_pos), 0)),
            pl.BlockSpec((2, H), full),
            pl.BlockSpec((H, H), full),
            pl.BlockSpec((1, H), full),
            pl.BlockSpec((H, H), full),
            pl.BlockSpec((1, H), full),
            pl.BlockSpec((1, H), full),
            pl.BlockSpec((1, H), full),
        ],
        out_specs=pl.BlockSpec((tb, H), lambda i: (tmap(i), 0)),
        out_shape=jax.ShapeDtypeStruct((n_tokens, H), jnp.float32),
        compiler_params=pltpu.CompilerParams(
            dimension_semantics=("parallel",)),
    )


def kernel(input_ids, bbox, word_emb, exp_pos_emb, x_emb, y_emb, h_emb,
           w_emb, tok_type_emb, W1, b1, W2, b2, ln_g, ln_b):
    b, s = input_ids.shape
    n = b * s
    tb = 1024
    ids = input_ids.reshape(n)
    x0 = bbox[:, :, 0].reshape(n // tb, 1, tb)
    y1 = bbox[:, :, 1].reshape(n // tb, 1, tb)
    x2 = bbox[:, :, 2].reshape(n // tb, 1, tb)
    y3 = bbox[:, :, 3].reshape(n // tb, 1, tb)

    sc = _make_sc_words(n)
    words = sc(ids, word_emb)

    absmax = jnp.maximum(
        jnp.maximum(jnp.max(jnp.abs(x_emb)), jnp.max(jnp.abs(y_emb))),
        jnp.maximum(jnp.max(jnp.abs(h_emb)), jnp.max(jnp.abs(w_emb))))
    scale = jnp.where(absmax > 0, absmax / 127.0, 1.0)
    quant = lambda t: jnp.round(t / scale).astype(jnp.int8)

    tc = _make_tc(n, s, tb)
    out = tc(words, x0, y1, x2, y3,
             quant(x_emb), quant(y_emb), quant(h_emb), quant(w_emb),
             scale.reshape(1, 1), exp_pos_emb, tok_type_emb,
             W1.astype(jnp.bfloat16), b1.reshape(1, H),
             W2.astype(jnp.bfloat16), b2.reshape(1, H),
             ln_g.reshape(1, H), ln_b.reshape(1, H))
    return out.reshape(b, s, H)

# --- scband reference (transcript-rebuilt; emitter-appended) ---
"""Pipeline reference for scband-doc-model-embeddings-10282151706991 (READ-ONLY COPY).

The authoritative reference and input builder live on the scoring server;
editing this copy changes nothing except your own understanding.
"""

import jax, jax.numpy as jnp
import numpy as np

VOCAB = 30522
H = 768
MAXPOS = 512
TYPES = 2
POS2D = 1024
B = 4
S = 2048


def setup_inputs(seed: int = 0) -> dict:
    key = jax.random.key(seed)
    ks = jax.random.split(key, 16)
    inp = {}
    inp['input_ids'] = jax.random.randint(ks[0], (B, S), 0, VOCAB, dtype=jnp.int32)
    inp['bbox'] = jax.random.randint(ks[1], (B, S, 4), 0, POS2D, dtype=jnp.int32)
    inp['word_emb'] = jax.random.normal(ks[2], (VOCAB, H), dtype=jnp.float32) * 0.02
    inp['exp_pos_emb'] = jax.random.normal(ks[3], (MAXPOS * 4, H), dtype=jnp.float32) * 0.02
    inp['x_emb'] = jax.random.normal(ks[4], (POS2D, H), dtype=jnp.float32) * 0.02
    inp['y_emb'] = jax.random.normal(ks[5], (POS2D, H), dtype=jnp.float32) * 0.02
    inp['h_emb'] = jax.random.normal(ks[6], (POS2D, H), dtype=jnp.float32) * 0.02
    inp['w_emb'] = jax.random.normal(ks[7], (POS2D, H), dtype=jnp.float32) * 0.02
    inp['tok_type_emb'] = jax.random.normal(ks[8], (TYPES, H), dtype=jnp.float32) * 0.02
    stdv1 = 1.0 / np.sqrt(H)
    inp['W1'] = jax.random.uniform(ks[9], (H, H), dtype=jnp.float32, minval=-stdv1, maxval=stdv1)
    inp['b1'] = jax.random.uniform(ks[10], (H,), dtype=jnp.float32, minval=-stdv1, maxval=stdv1)
    stdv2 = stdv1 * 0.1
    inp['W2'] = jax.random.uniform(ks[11], (H, H), dtype=jnp.float32, minval=-stdv2, maxval=stdv2)
    inp['b2'] = jax.random.uniform(ks[12], (H,), dtype=jnp.float32, minval=-stdv2, maxval=stdv2)
    inp['ln_g'] = jnp.ones((H,), dtype=jnp.float32)
    inp['ln_b'] = jnp.zeros((H,), dtype=jnp.float32)
    return inp


def reference(input_ids, bbox, word_emb, exp_pos_emb, x_emb, y_emb, h_emb, w_emb, tok_type_emb, W1, b1, W2, b2, ln_g, ln_b):
    b, s = input_ids.shape
    position_ids = jnp.broadcast_to(jnp.arange(s, dtype=jnp.int32)[None, :], (b, s))
    token_type_ids = jnp.zeros_like(input_ids)
    words = jnp.take(word_emb, input_ids, axis=0)
    pos = jnp.take(exp_pos_emb, position_ids, axis=0)
    tte = jnp.take(tok_type_emb, token_type_ids, axis=0)
    left = jnp.take(x_emb, bbox[:, :, 0], axis=0)
    upper = jnp.take(y_emb, bbox[:, :, 1], axis=0)
    right = jnp.take(x_emb, bbox[:, :, 2], axis=0)
    lower = jnp.take(y_emb, bbox[:, :, 3], axis=0)
    hpe = jnp.take(h_emb, jnp.abs(bbox[:, :, 3] - bbox[:, :, 1]), axis=0)
    wpe = jnp.take(w_emb, jnp.abs(bbox[:, :, 2] - bbox[:, :, 0]), axis=0)
    spatial = left + upper + right + lower + hpe + wpe
    hidden = jax.nn.relu(spatial @ W1.T + b1)
    temp = hidden @ W2.T + b2
    emb = words + pos + temp + tte
    mu = jnp.mean(emb, axis=-1, keepdims=True)
    var = jnp.var(emb, axis=-1, keepdims=True)
    emb = (emb - mu) / jnp.sqrt(var + 1e-12) * ln_g + ln_b
    # dropout is identity in eval mode
    return emb

if __name__ == "__main__":
    import jax
    _d = setup_inputs()
    print(jax.jit(kernel)(*tuple(_d.values())))

</pallas_src>

<mosaic_0001>
#map = affine_map<(d0, d1) -> (0)>
#map1 = affine_map<(d0, d1) -> (0, 0)>
module attributes {stable_mosaic.version = 14 : i64} {
  func.func @_sc_words_body(%arg0: i32, %arg1: i32, %arg2: memref<8192xi32, #tpu.memory_space<hbm>>, %arg3: memref<30522x768xf32, #tpu.memory_space<hbm>>, %arg4: memref<8192x768xf32, #tpu.memory_space<hbm>>, %arg5: memref<256xi32, #tpu.memory_space<vmem>>, %arg6: memref<2x16x768xf32, #tpu.memory_space<vmem>>, %arg7: memref<!tpu.dma_semaphore, #tpu.memory_space<semaphore_mem>>, %arg8: memref<!tpu.dma_semaphore, #tpu.memory_space<semaphore_mem>>, %arg9: memref<!tpu.dma_semaphore, #tpu.memory_space<semaphore_mem>>, %arg10: memref<!tpu.dma_semaphore, #tpu.memory_space<semaphore_mem>>) attributes {dimension_semantics = [#tpu.dimension_semantics<core_parallel>, #tpu.dimension_semantics<subcore_parallel>], iteration_bounds = array<i64: 2, 16>, scalar_prefetch = 0 : i64, scratch_operands = 6 : i64, tpu.core_type = #tpu.core_type<sc_vector_subcore>, window_params = [{transform_indices = #map}, {transform_indices = #map1}, {transform_indices = #map1}]} {
    %mul3A = arith.constant 2 : i32
    %mul3A_0 = arith.muli %arg1, %mul3A : i32
    %add3A = arith.addi %mul3A_0, %arg0 : i32
    %mul3A_1 = arith.constant 256 : i32
    %mul3A_2 = arith.muli %add3A, %mul3A_1 : i32
    "tpu.region"() ({
      %run_scoped3A = tpu.sem_alloc : memref<!tpu.dma_semaphore, #tpu.memory_space<semaphore_mem>>
      %dma_start3A_26 = tpu.memref_slice %arg2[%mul3A_2] : memref<8192xi32, #tpu.memory_space<hbm>> -> memref<256xi32, #tpu.memory_space<hbm>>
      %dma_start3A_27 = tpu.memref_slice %arg2[%mul3A_2] : memref<8192xi32, #tpu.memory_space<hbm>> -> memref<256xi32, #tpu.memory_space<hbm>>
      tpu.enqueue_dma source(%dma_start3A_27 : memref<256xi32, #tpu.memory_space<hbm>>) target(%arg5 : memref<256xi32, #tpu.memory_space<vmem>>) target_semaphore(%run_scoped3A : memref<!tpu.dma_semaphore, #tpu.memory_space<semaphore_mem>>)
      %dma_wait3A = tpu.memref_slice %arg2[%mul3A_2] : memref<8192xi32, #tpu.memory_space<hbm>> -> memref<256xi32, #tpu.memory_space<hbm>>
      %dma_wait3A_28 = tpu.memref_slice %arg2[%mul3A_2] : memref<8192xi32, #tpu.memory_space<hbm>> -> memref<256xi32, #tpu.memory_space<hbm>>
      tpu.wait_dma2 semaphore(%run_scoped3A : memref<!tpu.dma_semaphore, #tpu.memory_space<semaphore_mem>>) src(%dma_wait3A_28 : memref<256xi32, #tpu.memory_space<hbm>>) dst(%arg5 : memref<256xi32, #tpu.memory_space<vmem>>)
      tpu.yield
    }) : () -> ()
    %dma_start3A = arith.constant 0 : i32
    %dma_start3A_3 = arith.constant 0 : i32
    %dma_start3A_4 = arith.constant 0 : i32
    %dma_start3A_5 = tpu.memref_slice %arg6[%dma_start3A, %dma_start3A_3, %dma_start3A_4] : memref<2x16x768xf32, #tpu.memory_space<vmem>> -> memref<1x16x768xf32, #tpu.memory_space<vmem>>
    %dma_start3A_6 = tpu.memref_squeeze %dma_start3A_5 : memref<1x16x768xf32, #tpu.memory_space<vmem>> -> memref<16x768xf32, #tpu.memory_space<vmem>>
    %dma_start3A_7 = arith.constant 0 : i32
    %dma_start3A_8 = tpu.memref_slice %arg5[%dma_start3A_7] : memref<256xi32, #tpu.memory_space<vmem>> -> memref<16xi32, #tpu.memory_space<vmem>>
    %dma_start3A_9 = arith.constant 0 : i32
    %dma_start3A_10 = arith.constant 0 : i32
    %dma_start3A_11 = tpu.memref_slice %arg3[%dma_start3A_9, %dma_start3A_10] : memref<30522x768xf32, #tpu.memory_space<hbm>> -> memref<30522x768xf32, #tpu.memory_space<hbm>>
    tpu.enqueue_indirect_dma source(%dma_start3A_11 : memref<30522x768xf32, #tpu.memory_space<hbm>>) target(%dma_start3A_6 : memref<16x768xf32, #tpu.memory_space<vmem>>) offsets(%dma_start3A_8 : memref<16xi32, #tpu.memory_space<vmem>>) semaphore(%arg7 : memref<!tpu.dma_semaphore, #tpu.memory_space<semaphore_mem>>)
    %dma_start3A_12 = arith.constant 1 : i32
    %dma_start3A_13 = arith.constant 0 : i32
    %dma_start3A_14 = arith.constant 0 : i32
    %dma_start3A_15 = tpu.memref_slice %arg6[%dma_start3A_12, %dma_start3A_13, %dma_start3A_14] : memref<2x16x768xf32, #tpu.memory_space<vmem>> -> memref<1x16x768xf32, #tpu.memory_space<vmem>>
    %dma_start3A_16 = tpu.memref_squeeze %dma_start3A_15 : memref<1x16x768xf32, #tpu.memory_space<vmem>> -> memref<16x768xf32, #tpu.memory_space<vmem>>
    %dma_start3A_17 = arith.constant 16 : i32
    %dma_start3A_18 = tpu.memref_slice %arg5[%dma_start3A_17] : memref<256xi32, #tpu.memory_space<vmem>> -> memref<16xi32, #tpu.memory_space<vmem>>
    %dma_start3A_19 = arith.constant 0 : i32
    %dma_start3A_20 = arith.constant 0 : i32
    %dma_start3A_21 = tpu.memref_slice %arg3[%dma_start3A_19, %dma_start3A_20] : memref<30522x768xf32, #tpu.memory_space<hbm>> -> memref<30522x768xf32, #tpu.memory_space<hbm>>
    tpu.enqueue_indirect_dma source(%dma_start3A_21 : memref<30522x768xf32, #tpu.memory_space<hbm>>) target(%dma_start3A_16 : memref<16x768xf32, #tpu.memory_space<vmem>>) offsets(%dma_start3A_18 : memref<16xi32, #tpu.memory_space<vmem>>) semaphore(%arg8 : memref<!tpu.dma_semaphore, #tpu.memory_space<semaphore_mem>>)
    %scan3A = arith.constant 0 : i32
    %scan3A_22 = arith.constant 8 : i32
    %scan3A_23 = arith.addi %scan3A, %scan3A_22 : i32
    %scan3A_24 = arith.constant 1 : i32
    scf.for %scan3A_26 = %scan3A to %scan3A_23 step %scan3A_24  : i32 {
      %mul3A_27 = arith.constant 1 : i32
      %mul3A_28 = arith.muli %scan3A_26, %mul3A_27 : i32
      %add3A_29 = arith.constant 0 : i32
      %add3A_30 = arith.addi %add3A_29, %mul3A_28 : i32
      %mul3A_31 = arith.constant 2 : i32
      %mul3A_32 = arith.muli %add3A_30, %mul3A_31 : i32
      %add3A_33 = arith.constant 0 : i32
      %add3A_34 = arith.addi %mul3A_32, %add3A_33 : i32
      %dma_wait3A = arith.constant 0 : i32
      %dma_wait3A_35 = arith.constant 0 : i32
      %dma_wait3A_36 = arith.constant 0 : i32
      %dma_wait3A_37 = tpu.memref_slice %arg6[%dma_wait3A, %dma_wait3A_35, %dma_wait3A_36] : memref<2x16x768xf32, #tpu.memory_space<vmem>> -> memref<1x16x768xf32, #tpu.memory_space<vmem>>
      %dma_wait3A_38 = tpu.memref_squeeze %dma_wait3A_37 : memref<1x16x768xf32, #tpu.memory_space<vmem>> -> memref<16x768xf32, #tpu.memory_space<vmem>>
      %dma_wait3A_39 = arith.constant 0 : i32
      %dma_wait3A_40 = tpu.memref_slice %arg5[%dma_wait3A_39] : memref<256xi32, #tpu.memory_space<vmem>> -> memref<16xi32, #tpu.memory_space<vmem>>
      %dma_wait3A_41 = arith.constant 0 : i32
      %dma_wait3A_42 = arith.constant 0 : i32
      %dma_wait3A_43 = tpu.memref_slice %arg3[%dma_wait3A_41, %dma_wait3A_42] : memref<30522x768xf32, #tpu.memory_space<hbm>> -> memref<30522x768xf32, #tpu.memory_space<hbm>>
      tpu.wait_indirect_dma semaphore(%arg7 : memref<!tpu.dma_semaphore, #tpu.memory_space<semaphore_mem>>) src(%dma_wait3A_43 : memref<30522x768xf32, #tpu.memory_space<hbm>>) dst(%dma_wait3A_38 : memref<16x768xf32, #tpu.memory_space<vmem>>)
      %mul3A_44 = arith.constant 16 : i32
      %mul3A_45 = arith.muli %add3A_34, %mul3A_44 : i32
      %add3A_46 = arith.addi %mul3A_2, %mul3A_45 : i32
      %dma_start3A_47 = arith.constant 0 : i32
      %dma_start3A_48 = arith.constant 0 : i32
      %dma_start3A_49 = arith.constant 0 : i32
      %dma_start3A_50 = tpu.memref_slice %arg6[%dma_start3A_47, %dma_start3A_48, %dma_start3A_49] : memref<2x16x768xf32, #tpu.memory_space<vmem>> -> memref<1x16x768xf32, #tpu.memory_space<vmem>>
      %dma_start3A_51 = tpu.memref_squeeze %dma_start3A_50 : memref<1x16x768xf32, #tpu.memory_space<vmem>> -> memref<16x768xf32, #tpu.memory_space<vmem>>
      %dma_start3A_52 = arith.constant 0 : i32
      %dma_start3A_53 = tpu.memref_slice %arg4[%add3A_46, %dma_start3A_52] : memref<8192x768xf32, #tpu.memory_space<hbm>> -> memref<16x768xf32, #tpu.memory_space<hbm>>
      %dma_start3A_54 = arith.constant 0 : i32
      %dma_start3A_55 = tpu.memref_slice %arg4[%add3A_46, %dma_start3A_54] : memref<8192x768xf32, #tpu.memory_space<hbm>> -> memref<16x768xf32, #tpu.memory_space<hbm>>
      %dma_start3A_56 = arith.constant 0 : i32
      %dma_start3A_57 = arith.constant 0 : i32
      %dma_start3A_58 = tpu.memref_slice %arg6[%dma_start3A_47, %dma_start3A_56, %dma_start3A_57] : memref<2x16x768xf32, #tpu.memory_space<vmem>> -> memref<1x16x768xf32, #tpu.memory_space<vmem>>
      %dma_start3A_59 = tpu.memref_squeeze %dma_start3A_58 : memref<1x16x768xf32, #tpu.memory_space<vmem>> -> memref<16x768xf32, #tpu.memory_space<vmem>>
      tpu.enqueue_dma source(%dma_start3A_59 : memref<16x768xf32, #tpu.memory_space<vmem>>) target(%dma_start3A_55 : memref<16x768xf32, #tpu.memory_space<hbm>>) target_semaphore(%arg9 : memref<!tpu.dma_semaphore, #tpu.memory_space<semaphore_mem>>)
      %dma_wait3A_60 = arith.constant 0 : i32
      %dma_wait3A_61 = arith.constant 0 : i32
      %dma_wait3A_62 = arith.constant 0 : i32
      %dma_wait3A_63 = tpu.memref_slice %arg6[%dma_wait3A_60, %dma_wait3A_61, %dma_wait3A_62] : memref<2x16x768xf32, #tpu.memory_space<vmem>> -> memref<1x16x768xf32, #tpu.memory_space<vmem>>
      %dma_wait3A_64 = tpu.memref_squeeze %dma_wait3A_63 : memref<1x16x768xf32, #tpu.memory_space<vmem>> -> memref<16x768xf32, #tpu.memory_space<vmem>>
      %dma_wait3A_65 = arith.constant 0 : i32
      %dma_wait3A_66 = tpu.memref_slice %arg4[%add3A_46, %dma_wait3A_65] : memref<8192x768xf32, #tpu.memory_space<hbm>> -> memref<16x768xf32, #tpu.memory_space<hbm>>
      %dma_wait3A_67 = arith.constant 0 : i32
      %dma_wait3A_68 = tpu.memref_slice %arg4[%add3A_46, %dma_wait3A_67] : memref<8192x768xf32, #tpu.memory_space<hbm>> -> memref<16x768xf32, #tpu.memory_space<hbm>>
      %dma_wait3A_69 = arith.constant 0 : i32
      %dma_wait3A_70 = arith.constant 0 : i32
      %dma_wait3A_71 = tpu.memref_slice %arg6[%dma_wait3A_60, %dma_wait3A_69, %dma_wait3A_70] : memref<2x16x768xf32, #tpu.memory_space<vmem>> -> memref<1x16x768xf32, #tpu.memory_space<vmem>>
      %dma_wait3A_72 = tpu.memref_squeeze %dma_wait3A_71 : memref<1x16x768xf32, #tpu.memory_space<vmem>> -> memref<16x768xf32, #tpu.memory_space<vmem>>
      tpu.wait_dma2 semaphore(%arg9 : memref<!tpu.dma_semaphore, #tpu.memory_space<semaphore_mem>>) src(%dma_wait3A_72 : memref<16x768xf32, #tpu.memory_space<vmem>>) dst(%dma_wait3A_68 : memref<16x768xf32, #tpu.memory_space<hbm>>)
      %add3A_73 = arith.constant 2 : i32
      %add3A_74 = arith.addi %add3A_34, %add3A_73 : i32
      %lt3A = arith.constant 16 : i32
      %lt3A_75 = arith.cmpi slt, %add3A_74, %lt3A : i32
      %convert_element_type3A = arith.extui %lt3A_75 : i1 to i32
      %cond3A = arith.constant 0 : i32
      %cond3A_76 = arith.cmpi ne, %convert_element_type3A, %cond3A : i32
      scf.if %cond3A_76 {
        %add3A_127 = arith.constant 2 : i32
        %add3A_128 = arith.addi %add3A_34, %add3A_127 : i32
        %mul3A_129 = arith.constant 16 : i32
        %mul3A_130 = arith.muli %add3A_128, %mul3A_129 : i32
        %dma_start3A_131 = arith.constant 0 : i32
        %dma_start3A_132 = arith.constant 0 : i32
        %dma_start3A_133 = arith.constant 0 : i32
        %dma_start3A_134 = tpu.memref_slice %arg6[%dma_start3A_131, %dma_start3A_132, %dma_start3A_133] : memref<2x16x768xf32, #tpu.memory_space<vmem>> -> memref<1x16x768xf32, #tpu.memory_space<vmem>>
        %dma_start3A_135 = tpu.memref_squeeze %dma_start3A_134 : memref<1x16x768xf32, #tpu.memory_space<vmem>> -> memref<16x768xf32, #tpu.memory_space<vmem>>
        %dma_start3A_136 = tpu.memref_slice %arg5[%mul3A_130] : memref<256xi32, #tpu.memory_space<vmem>> -> memref<16xi32, #tpu.memory_space<vmem>>
        %dma_start3A_137 = arith.constant 0 : i32
        %dma_start3A_138 = arith.constant 0 : i32
        %dma_start3A_139 = tpu.memref_slice %arg3[%dma_start3A_137, %dma_start3A_138] : memref<30522x768xf32, #tpu.memory_space<hbm>> -> memref<30522x768xf32, #tpu.memory_space<hbm>>
        tpu.enqueue_indirect_dma source(%dma_start3A_139 : memref<30522x768xf32, #tpu.memory_space<hbm>>) target(%dma_start3A_135 : memref<16x768xf32, #tpu.memory_space<vmem>>) offsets(%dma_start3A_136 : memref<16xi32, #tpu.memory_space<vmem>>) semaphore(%arg7 : memref<!tpu.dma_semaphore, #tpu.memory_space<semaphore_mem>>)
      } else {
      }
      %mul3A_77 = arith.constant 2 : i32
      %mul3A_78 = arith.muli %add3A_30, %mul3A_77 : i32
      %add3A_79 = arith.constant 1 : i32
      %add3A_80 = arith.addi %mul3A_78, %add3A_79 : i32
      %dma_wait3A_81 = arith.constant 1 : i32
      %dma_wait3A_82 = arith.constant 0 : i32
      %dma_wait3A_83 = arith.constant 0 : i32
      %dma_wait3A_84 = tpu.memref_slice %arg6[%dma_wait3A_81, %dma_wait3A_82, %dma_wait3A_83] : memref<2x16x768xf32, #tpu.memory_space<vmem>> -> memref<1x16x768xf32, #tpu.memory_space<vmem>>
      %dma_wait3A_85 = tpu.memref_squeeze %dma_wait3A_84 : memref<1x16x768xf32, #tpu.memory_space<vmem>> -> memref<16x768xf32, #tpu.memory_space<vmem>>
      %dma_wait3A_86 = arith.constant 0 : i32
      %dma_wait3A_87 = tpu.memref_slice %arg5[%dma_wait3A_86] : memref<256xi32, #tpu.memory_space<vmem>> -> memref<16xi32, #tpu.memory_space<vmem>>
      %dma_wait3A_88 = arith.constant 0 : i32
      %dma_wait3A_89 = arith.constant 0 : i32
      %dma_wait3A_90 = tpu.memref_slice %arg3[%dma_wait3A_88, %dma_wait3A_89] : memref<30522x768xf32, #tpu.memory_space<hbm>> -> memref<30522x768xf32, #tpu.memory_space<hbm>>
      tpu.wait_indirect_dma semaphore(%arg8 : memref<!tpu.dma_semaphore, #tpu.memory_space<semaphore_mem>>) src(%dma_wait3A_90 : memref<30522x768xf32, #tpu.memory_space<hbm>>) dst(%dma_wait3A_85 : memref<16x768xf32, #tpu.memory_space<vmem>>)
      %mul3A_91 = arith.constant 16 : i32
      %mul3A_92 = arith.muli %add3A_80, %mul3A_91 : i32
      %add3A_93 = arith.addi %mul3A_2, %mul3A_92 : i32
      %dma_start3A_94 = arith.constant 1 : i32
      %dma_start3A_95 = arith.constant 0 : i32
      %dma_start3A_96 = arith.constant 0 : i32
      %dma_start3A_97 = tpu.memref_slice %arg6[%dma_start3A_94, %dma_start3A_95, %dma_start3A_96] : memref<2x16x768xf32, #tpu.memory_space<vmem>> -> memref<1x16x768xf32, #tpu.memory_space<vmem>>
      %dma_start3A_98 = tpu.memref_squeeze %dma_start3A_97 : memref<1x16x768xf32, #tpu.memory_space<vmem>> -> memref<16x768xf32, #tpu.memory_space<vmem>>
      %dma_start3A_99 = arith.constant 0 : i32
      %dma_start3A_100 = tpu.memref_slice %arg4[%add3A_93, %dma_start3A_99] : memref<8192x768xf32, #tpu.memory_space<hbm>> -> memref<16x768xf32, #tpu.memory_space<hbm>>
      %dma_start3A_101 = arith.constant 0 : i32
      %dma_start3A_102 = tpu.memref_slice %arg4[%add3A_93, %dma_start3A_101] : memref<8192x768xf32, #tpu.memory_space<hbm>> -> memref<16x768xf32, #tpu.memory_space<hbm>>
      %dma_start3A_103 = arith.constant 0 : i32
      %dma_start3A_104 = arith.constant 0 : i32
      %dma_start3A_105 = tpu.memref_slice %arg6[%dma_start3A_94, %dma_start3A_103, %dma_start3A_104] : memref<2x16x768xf32, #tpu.memory_space<vmem>> -> memref<1x16x768xf32, #tpu.memory_space<vmem>>
      %dma_start3A_106 = tpu.memref_squeeze %dma_start3A_105 : memref<1x16x768xf32, #tpu.memory_space<vmem>> -> memref<16x768xf32, #tpu.memory_space<vmem>>
      tpu.enqueue_dma source(%dma_start3A_106 : memref<16x768xf32, #tpu.memory_space<vmem>>) target(%dma_start3A_102 : memref<16x768xf32, #tpu.memory_space<hbm>>) target_semaphore(%arg10 : memref<!tpu.dma_semaphore, #tpu.memory_space<semaphore_mem>>)
      %dma_wait3A_107 = arith.constant 1 : i32
      %dma_wait3A_108 = arith.constant 0 : i32
      %dma_wait3A_109 = arith.constant 0 : i32
      %dma_wait3A_110 = tpu.memref_slice %arg6[%dma_wait3A_107, %dma_wait3A_108, %dma_wait3A_109] : memref<2x16x768xf32, #tpu.memory_space<vmem>> -> memref<1x16x768xf32, #tpu.memory_space<vmem>>
      %dma_wait3A_111 = tpu.memref_squeeze %dma_wait3A_110 : memref<1x16x768xf32, #tpu.memory_space<vmem>> -> memref<16x768xf32, #tpu.memory_space<vmem>>
      %dma_wait3A_112 = arith.constant 0 : i32
      %dma_wait3A_113 = tpu.memref_slice %arg4[%add3A_93, %dma_wait3A_112] : memref<8192x768xf32, #tpu.memory_space<hbm>> -> memref<16x768xf32, #tpu.memory_space<hbm>>
      %dma_wait3A_114 = arith.constant 0 : i32
      %dma_wait3A_115 = tpu.memref_slice %arg4[%add3A_93, %dma_wait3A_114] : memref<8192x768xf32, #tpu.memory_space<hbm>> -> memref<16x768xf32, #tpu.memory_space<hbm>>
      %dma_wait3A_116 = arith.constant 0 : i32
      %dma_wait3A_117 = arith.constant 0 : i32
      %dma_wait3A_118 = tpu.memref_slice %arg6[%dma_wait3A_107, %dma_wait3A_116, %dma_wait3A_117] : memref<2x16x768xf32, #tpu.memory_space<vmem>> -> memref<1x16x768xf32, #tpu.memory_space<vmem>>
      %dma_wait3A_119 = tpu.memref_squeeze %dma_wait3A_118 : memref<1x16x768xf32, #tpu.memory_space<vmem>> -> memref<16x768xf32, #tpu.memory_space<vmem>>
      tpu.wait_dma2 semaphore(%arg10 : memref<!tpu.dma_semaphore, #tpu.memory_space<semaphore_mem>>) src(%dma_wait3A_119 : memref<16x768xf32, #tpu.memory_space<vmem>>) dst(%dma_wait3A_115 : memref<16x768xf32, #tpu.memory_space<hbm>>)
      %add3A_120 = arith.constant 2 : i32
      %add3A_121 = arith.addi %add3A_80, %add3A_120 : i32
      %lt3A_122 = arith.constant 16 : i32
      %lt3A_123 = arith.cmpi slt, %add3A_121, %lt3A_122 : i32
      %convert_element_type3A_124 = arith.extui %lt3A_123 : i1 to i32
      %cond3A_125 = arith.constant 0 : i32
      %cond3A_126 = arith.cmpi ne, %convert_element_type3A_124, %cond3A_125 : i32
      scf.if %cond3A_126 {
        %add3A_127 = arith.constant 2 : i32
        %add3A_128 = arith.addi %add3A_80, %add3A_127 : i32
        %mul3A_129 = arith.constant 16 : i32
        %mul3A_130 = arith.muli %add3A_128, %mul3A_129 : i32
        %dma_start3A_131 = arith.constant 1 : i32
        %dma_start3A_132 = arith.constant 0 : i32
        %dma_start3A_133 = arith.constant 0 : i32
        %dma_start3A_134 = tpu.memref_slice %arg6[%dma_start3A_131, %dma_start3A_132, %dma_start3A_133] : memref<2x16x768xf32, #tpu.memory_space<vmem>> -> memref<1x16x768xf32, #tpu.memory_space<vmem>>
        %dma_start3A_135 = tpu.memref_squeeze %dma_start3A_134 : memref<1x16x768xf32, #tpu.memory_space<vmem>> -> memref<16x768xf32, #tpu.memory_space<vmem>>
        %dma_start3A_136 = tpu.memref_slice %arg5[%mul3A_130] : memref<256xi32, #tpu.memory_space<vmem>> -> memref<16xi32, #tpu.memory_space<vmem>>
        %dma_start3A_137 = arith.constant 0 : i32
        %dma_start3A_138 = arith.constant 0 : i32
        %dma_start3A_139 = tpu.memref_slice %arg3[%dma_start3A_137, %dma_start3A_138] : memref<30522x768xf32, #tpu.memory_space<hbm>> -> memref<30522x768xf32, #tpu.memory_space<hbm>>
        tpu.enqueue_indirect_dma source(%dma_start3A_139 : memref<30522x768xf32, #tpu.memory_space<hbm>>) target(%dma_start3A_135 : memref<16x768xf32, #tpu.memory_space<vmem>>) offsets(%dma_start3A_136 : memref<16xi32, #tpu.memory_space<vmem>>) semaphore(%arg8 : memref<!tpu.dma_semaphore, #tpu.memory_space<semaphore_mem>>)
      } else {
      }
    }
    %scan3A_25 = arith.constant 8 : i32
    return
  }
}

module attributes {stable_mosaic.version = 14 : i64} {
  func.func @_tc_body(%arg0: i32, %arg1: memref<1024x768xf32, #tpu.memory_space<vmem>>, %arg2: memref<1x1x1024xi32, #tpu.memory_space<vmem>>, %arg3: memref<1x1x1024xi32, #tpu.memory_space<vmem>>, %arg4: memref<1x1x1024xi32, #tpu.memory_space<vmem>>, %arg5: memref<1x1x1024xi32, #tpu.memory_space<vmem>>, %arg6: memref<1024x768xi8, #tpu.memory_space<vmem>>, %arg7: memref<1024x768xi8, #tpu.memory_space<vmem>>, %arg8: memref<1024x768xi8, #tpu.memory_space<vmem>>, %arg9: memref<1024x768xi8, #tpu.memory_space<vmem>>, %arg10: memref<1x1xf32, #tpu.memory_space<vmem>>, %arg11: memref<1024x768xf32, #tpu.memory_space<vmem>>, %arg12: memref<2x768xf32, #tpu.memory_space<vmem>>, %arg13: memref<768x768xbf16, #tpu.memory_space<vmem>>, %arg14: memref<1x768xf32, #tpu.memory_space<vmem>>, %arg15: memref<768x768xbf16, #tpu.memory_space<vmem>>, %arg16: memref<1x768xf32, #tpu.memory_space<vmem>>, %arg17: memref<1x768xf32, #tpu.memory_space<vmem>>, %arg18: memref<1x768xf32, #tpu.memory_space<vmem>>, %arg19: memref<1024x768xf32, #tpu.memory_space<vmem>>) attributes {dimension_semantics = [#tpu.dimension_semantics<parallel>], iteration_bounds = array<i64: 8>, scalar_prefetch = 0 : i64, scratch_operands = 0 : i64, tpu.core_type = #tpu.core_type<tc>, window_params = [{transform_indices = @transform_0, window_bounds = array<i64: 1024, 768>}, {transform_indices = @transform_1, window_bounds = array<i64: 1, 1, 1024>}, {transform_indices = @transform_2, window_bounds = array<i64: 1, 1, 1024>}, {transform_indices = @transform_3, window_bounds = array<i64: 1, 1, 1024>}, {transform_indices = @transform_4, window_bounds = array<i64: 1, 1, 1024>}, {pipeline_mode = #tpu.pipeline_mode<synchronous>, transform_indices = @transform_5, window_bounds = array<i64: 1024, 768>}, {pipeline_mode = #tpu.pipeline_mode<synchronous>, transform_indices = @transform_6, window_bounds = array<i64: 1024, 768>}, {pipeline_mode = #tpu.pipeline_mode<synchronous>, transform_indices = @transform_7, window_bounds = array<i64: 1024, 768>}, {pipeline_mode = #tpu.pipeline_mode<synchronous>, transform_indices = @transform_8, window_bounds = array<i64: 1024, 768>}, {pipeline_mode = #tpu.pipeline_mode<synchronous>, transform_indices = @transform_9, window_bounds = array<i64: 1, 1>}, {transform_indices = @transform_10, window_bounds = array<i64: 1024, 768>}, {pipeline_mode = #tpu.pipeline_mode<synchronous>, transform_indices = @transform_11, window_bounds = array<i64: 2, 768>}, {pipeline_mode = #tpu.pipeline_mode<synchronous>, transform_indices = @transform_12, window_bounds = array<i64: 768, 768>}, {pipeline_mode = #tpu.pipeline_mode<synchronous>, transform_indices = @transform_13, window_bounds = array<i64: 1, 768>}, {pipeline_mode = #tpu.pipeline_mode<synchronous>, transform_indices = @transform_14, window_bounds = array<i64: 768, 768>}, {pipeline_mode = #tpu.pipeline_mode<synchronous>, transform_indices = @transform_15, window_bounds = array<i64: 1, 768>}, {pipeline_mode = #tpu.pipeline_mode<synchronous>, transform_indices = @transform_16, window_bounds = array<i64: 1, 768>}, {pipeline_mode = #tpu.pipeline_mode<synchronous>, transform_indices = @transform_17, window_bounds = array<i64: 1, 768>}, {transform_indices = @transform_18, window_bounds = array<i64: 1024, 768>}]} {
    %get3A = arith.constant 0 : index
    %get3A_0 = arith.constant 0 : index
    %get3A_1 = arith.constant 0 : index
    %get3A_2 = vector.load %arg2[%get3A, %get3A_0, %get3A_1] : memref<1x1x1024xi32, #tpu.memory_space<vmem>>, vector<1x1x1024xi32>
    %get3A_3 = vector.shape_cast %get3A_2 : vector<1x1x1024xi32> to vector<1x1024xi32>
    %get3A_4 = arith.constant 0 : index
    %get3A_5 = arith.constant 0 : index
    %get3A_6 = arith.constant 0 : index
    %get3A_7 = vector.load %arg3[%get3A_4, %get3A_5, %get3A_6] : memref<1x1x1024xi32, #tpu.memory_space<vmem>>, vector<1x1x1024xi32>
    %get3A_8 = vector.shape_cast %get3A_7 : vector<1x1x1024xi32> to vector<1x1024xi32>
    %get3A_9 = arith.constant 0 : index
    %get3A_10 = arith.constant 0 : index
    %get3A_11 = arith.constant 0 : index
    %get3A_12 = vector.load %arg4[%get3A_9, %get3A_10, %get3A_11] : memref<1x1x1024xi32, #tpu.memory_space<vmem>>, vector<1x1x1024xi32>
    %get3A_13 = vector.shape_cast %get3A_12 : vector<1x1x1024xi32> to vector<1x1024xi32>
    %get3A_14 = arith.constant 0 : index
    %get3A_15 = arith.constant 0 : index
    %get3A_16 = arith.constant 0 : index
    %get3A_17 = vector.load %arg5[%get3A_14, %get3A_15, %get3A_16] : memref<1x1x1024xi32, #tpu.memory_space<vmem>>, vector<1x1x1024xi32>
    %get3A_18 = vector.shape_cast %get3A_17 : vector<1x1x1024xi32> to vector<1x1024xi32>
    %sub3A = arith.subi %get3A_18, %get3A_8 : vector<1x1024xi32>
    %abs3A = math.absi %sub3A : vector<1x1024xi32>
    %sub3A_19 = arith.subi %get3A_13, %get3A_3 : vector<1x1024xi32>
    %abs3A_20 = math.absi %sub3A_19 : vector<1x1024xi32>
    %iota3A = tpu.iota {dimensions = array<i32: 0>} : vector<1024x1024xi16>
    %convert_element_type3A = arith.trunci %get3A_3 : vector<1x1024xi32> to vector<1x1024xi16>
    %eq3A = vector.broadcast %convert_element_type3A : vector<1x1024xi16> to vector<1024x1024xi16>
    %eq3A_21 = arith.cmpi eq, %eq3A, %iota3A : vector<1024x1024xi16>
    %convert_element_type3A_22 = arith.extui %eq3A_21 : vector<1024x1024xi1> to vector<1024x1024xi16>
    %convert_element_type3A_23 = arith.trunci %get3A_13 : vector<1x1024xi32> to vector<1x1024xi16>
    %eq3A_24 = vector.broadcast %convert_element_type3A_23 : vector<1x1024xi16> to vector<1024x1024xi16>
    %eq3A_25 = arith.cmpi eq, %eq3A_24, %iota3A : vector<1024x1024xi16>
    %convert_element_type3A_26 = arith.extui %eq3A_25 : vector<1024x1024xi1> to vector<1024x1024xi16>
    %add3A = arith.addi %convert_element_type3A_22, %convert_element_type3A_26 : vector<1024x1024xi16>
    %convert_element_type3A_27 = arith.trunci %add3A : vector<1024x1024xi16> to vector<1024x1024xi8>
    %get3A_28 = arith.constant 0 : index
    %get3A_29 = arith.constant 0 : index
    %get3A_30 = vector.load %arg6[%get3A_28, %get3A_29] : memref<1024x768xi8, #tpu.memory_space<vmem>>, vector<1024x768xi8>
    %dot_general3A = arith.constant dense<0> : vector<1024x768xi32>
    %dot_general3A_31 = tpu.matmul %convert_element_type3A_27, %get3A_30, %dot_general3A {dimension_numbers = #tpu.dot_dimension_numbers<[0], [0], [1], [1], [0, 1, 1, 1], [], []>, transpose_lhs_hint = false} : vector<1024x1024xi8>, vector<1024x768xi8>, vector<1024x768xi32> -> vector<1024x768xi32>
    %convert_element_type3A_32 = arith.trunci %get3A_8 : vector<1x1024xi32> to vector<1x1024xi16>
    %eq3A_33 = vector.broadcast %convert_element_type3A_32 : vector<1x1024xi16> to vector<1024x1024xi16>
    %eq3A_34 = arith.cmpi eq, %eq3A_33, %iota3A : vector<1024x1024xi16>
    %convert_element_type3A_35 = arith.extui %eq3A_34 : vector<1024x1024xi1> to vector<1024x1024xi16>
    %convert_element_type3A_36 = arith.trunci %get3A_18 : vector<1x1024xi32> to vector<1x1024xi16>
    %eq3A_37 = vector.broadcast %convert_element_type3A_36 : vector<1x1024xi16> to vector<1024x1024xi16>
    %eq3A_38 = arith.cmpi eq, %eq3A_37, %iota3A : vector<1024x1024xi16>
    %convert_element_type3A_39 = arith.extui %eq3A_38 : vector<1024x1024xi1> to vector<1024x1024xi16>
    %add3A_40 = arith.addi %convert_element_type3A_35, %convert_element_type3A_39 : vector<1024x1024xi16>
    %convert_element_type3A_41 = arith.trunci %add3A_40 : vector<1024x1024xi16> to vector<1024x1024xi8>
    %get3A_42 = arith.constant 0 : index
    %get3A_43 = arith.constant 0 : index
    %get3A_44 = vector.load %arg7[%get3A_42, %get3A_43] : memref<1024x768xi8, #tpu.memory_space<vmem>>, vector<1024x768xi8>
    %dot_general3A_45 = arith.constant dense<0> : vector<1024x768xi32>
    %dot_general3A_46 = tpu.matmul %convert_element_type3A_41, %get3A_44, %dot_general3A_45 {dimension_numbers = #tpu.dot_dimension_numbers<[0], [0], [1], [1], [0, 1, 1, 1], [], []>, transpose_lhs_hint = false} : vector<1024x1024xi8>, vector<1024x768xi8>, vector<1024x768xi32> -> vector<1024x768xi32>
    %add3A_47 = arith.addi %dot_general3A_31, %dot_general3A_46 : vector<1024x768xi32>
    %convert_element_type3A_48 = arith.trunci %abs3A : vector<1x1024xi32> to vector<1x1024xi16>
    %eq3A_49 = vector.broadcast %convert_element_type3A_48 : vector<1x1024xi16> to vector<1024x1024xi16>
    %eq3A_50 = arith.cmpi eq, %eq3A_49, %iota3A : vector<1024x1024xi16>
    %convert_element_type3A_51 = arith.extui %eq3A_50 : vector<1024x1024xi1> to vector<1024x1024xi16>
    %convert_element_type3A_52 = arith.trunci %convert_element_type3A_51 : vector<1024x1024xi16> to vector<1024x1024xi8>
    %get3A_53 = arith.constant 0 : index
    %get3A_54 = arith.constant 0 : index
    %get3A_55 = vector.load %arg8[%get3A_53, %get3A_54] : memref<1024x768xi8, #tpu.memory_space<vmem>>, vector<1024x768xi8>
    %dot_general3A_56 = arith.constant dense<0> : vector<1024x768xi32>
    %dot_general3A_57 = tpu.matmul %convert_element_type3A_52, %get3A_55, %dot_general3A_56 {dimension_numbers = #tpu.dot_dimension_numbers<[0], [0], [1], [1], [0, 1, 1, 1], [], []>, transpose_lhs_hint = false} : vector<1024x1024xi8>, vector<1024x768xi8>, vector<1024x768xi32> -> vector<1024x768xi32>
    %add3A_58 = arith.addi %add3A_47, %dot_general3A_57 : vector<1024x768xi32>
    %convert_element_type3A_59 = arith.trunci %abs3A_20 : vector<1x1024xi32> to vector<1x1024xi16>
    %eq3A_60 = vector.broadcast %convert_element_type3A_59 : vector<1x1024xi16> to vector<1024x1024xi16>
    %eq3A_61 = arith.cmpi eq, %eq3A_60, %iota3A : vector<1024x1024xi16>
    %convert_element_type3A_62 = arith.extui %eq3A_61 : vector<1024x1024xi1> to vector<1024x1024xi16>
    %convert_element_type3A_63 = arith.trunci %convert_element_type3A_62 : vector<1024x1024xi16> to vector<1024x1024xi8>
    %get3A_64 = arith.constant 0 : index
    %get3A_65 = arith.constant 0 : index
    %get3A_66 = vector.load %arg9[%get3A_64, %get3A_65] : memref<1024x768xi8, #tpu.memory_space<vmem>>, vector<1024x768xi8>
    %dot_general3A_67 = arith.constant dense<0> : vector<1024x768xi32>
    %dot_general3A_68 = tpu.matmul %convert_element_type3A_63, %get3A_66, %dot_general3A_67 {dimension_numbers = #tpu.dot_dimension_numbers<[0], [0], [1], [1], [0, 1, 1, 1], [], []>, transpose_lhs_hint = false} : vector<1024x1024xi8>, vector<1024x768xi8>, vector<1024x768xi32> -> vector<1024x768xi32>
    %add3A_69 = arith.addi %add3A_58, %dot_general3A_68 : vector<1024x768xi32>
    %convert_element_type3A_70 = arith.sitofp %add3A_69 : vector<1024x768xi32> to vector<1024x768xf32>
    %get3A_71 = arith.constant 0 : index
    %get3A_72 = arith.constant 0 : index
    %get3A_73 = vector.load %arg10[%get3A_71, %get3A_72] : memref<1x1xf32, #tpu.memory_space<vmem>>, vector<1x1xf32>
    %mul3A = vector.broadcast %get3A_73 : vector<1x1xf32> to vector<1024x768xf32>
    %mul3A_74 = arith.mulf %convert_element_type3A_70, %mul3A : vector<1024x768xf32>
    %convert_element_type3A_75 = arith.truncf %mul3A_74 : vector<1024x768xf32> to vector<1024x768xbf16>
    %get3A_76 = arith.constant 0 : index
    %get3A_77 = arith.constant 0 : index
    %get3A_78 = vector.load %arg13[%get3A_76, %get3A_77] : memref<768x768xbf16, #tpu.memory_space<vmem>>, vector<768x768xbf16>
    %dot_general3A_79 = arith.constant dense<0.000000e+00> : vector<1024x768xf32>
    %dot_general3A_80 = tpu.matmul %convert_element_type3A_75, %get3A_78, %dot_general3A_79 {dimension_numbers = #tpu.dot_dimension_numbers<[1], [1], [0], [0], [0, 0, 1, 0], [], []>, transpose_lhs_hint = false} : vector<1024x768xbf16>, vector<768x768xbf16>, vector<1024x768xf32> -> vector<1024x768xf32>
    %get3A_81 = arith.constant 0 : index
    %get3A_82 = arith.constant 0 : index
    %get3A_83 = vector.load %arg14[%get3A_81, %get3A_82] : memref<1x768xf32, #tpu.memory_space<vmem>>, vector<1x768xf32>
    %add3A_84 = vector.broadcast %get3A_83 : vector<1x768xf32> to vector<1024x768xf32>
    %add3A_85 = arith.addf %dot_general3A_80, %add3A_84 : vector<1024x768xf32>
    %max3A = arith.constant 0.000000e+00 : f32
    %max3A_86 = vector.broadcast %max3A : f32 to vector<1024x768xf32>
    %max3A_87 = arith.maximumf %add3A_85, %max3A_86 : vector<1024x768xf32>
    %convert_element_type3A_88 = arith.truncf %max3A_87 : vector<1024x768xf32> to vector<1024x768xbf16>
    %get3A_89 = arith.constant 0 : index
    %get3A_90 = arith.constant 0 : index
    %get3A_91 = vector.load %arg15[%get3A_89, %get3A_90] : memref<768x768xbf16, #tpu.memory_space<vmem>>, vector<768x768xbf16>
    %dot_general3A_92 = arith.constant dense<0.000000e+00> : vector<1024x768xf32>
    %dot_general3A_93 = tpu.matmul %convert_element_type3A_88, %get3A_91, %dot_general3A_92 {dimension_numbers = #tpu.dot_dimension_numbers<[1], [1], [0], [0], [0, 0, 1, 0], [], []>, transpose_lhs_hint = false} : vector<1024x768xbf16>, vector<768x768xbf16>, vector<1024x768xf32> -> vector<1024x768xf32>
    %get3A_94 = arith.constant 0 : index
    %get3A_95 = arith.constant 0 : index
    %get3A_96 = vector.load %arg1[%get3A_94, %get3A_95] : memref<1024x768xf32, #tpu.memory_space<vmem>>, vector<1024x768xf32>
    %get3A_97 = arith.constant 0 : index
    %get3A_98 = arith.constant 0 : index
    %get3A_99 = vector.load %arg11[%get3A_97, %get3A_98] : memref<1024x768xf32, #tpu.memory_space<vmem>>, vector<1024x768xf32>
    %add3A_100 = arith.addf %get3A_96, %get3A_99 : vector<1024x768xf32>
    %get3A_101 = arith.constant 0 : index
    %get3A_102 = arith.constant 0 : index
    %get3A_103 = vector.load %arg16[%get3A_101, %get3A_102] : memref<1x768xf32, #tpu.memory_space<vmem>>, vector<1x768xf32>
    %add3A_104 = vector.broadcast %get3A_103 : vector<1x768xf32> to vector<1024x768xf32>
    %add3A_105 = arith.addf %dot_general3A_93, %add3A_104 : vector<1024x768xf32>
    %add3A_106 = arith.addf %add3A_100, %add3A_105 : vector<1024x768xf32>
    %get3A_107 = arith.constant 0 : index
    %get3A_108 = arith.constant 0 : index
    %get3A_109 = vector.load %arg12[%get3A_107, %get3A_108] : memref<2x768xf32, #tpu.memory_space<vmem>>, vector<1x768xf32>
    %add3A_110 = vector.broadcast %get3A_109 : vector<1x768xf32> to vector<1024x768xf32>
    %add3A_111 = arith.addf %add3A_106, %add3A_110 : vector<1024x768xf32>
    %broadcast_in_dim3A = arith.constant 1.000000e+00 : bf16
    %broadcast_in_dim3A_112 = vector.broadcast %broadcast_in_dim3A : bf16 to vector<768x128xbf16>
    %convert_element_type3A_113 = arith.truncf %add3A_111 : vector<1024x768xf32> to vector<1024x768xbf16>
    %dot_general3A_114 = arith.constant dense<0.000000e+00> : vector<1024x128xf32>
    %dot_general3A_115 = tpu.matmul %convert_element_type3A_113, %broadcast_in_dim3A_112, %dot_general3A_114 {dimension_numbers = #tpu.dot_dimension_numbers<[1], [0], [0], [1], [0, 0, 1, 1], [], []>, transpose_lhs_hint = false} : vector<1024x768xbf16>, vector<768x128xbf16>, vector<1024x128xf32> -> vector<1024x128xf32>
    %slice3A = vector.extract_strided_slice %dot_general3A_115 {offsets = [0, 0], sizes = [1024, 1], strides = [1, 1]} : vector<1024x128xf32> to vector<1024x1xf32>
    %mul3A_116 = arith.constant 0.00130208337 : f32
    %mul3A_117 = vector.broadcast %mul3A_116 : f32 to vector<1024x1xf32>
    %mul3A_118 = arith.mulf %slice3A, %mul3A_117 : vector<1024x1xf32>
    %sub3A_119 = vector.broadcast %mul3A_118 : vector<1024x1xf32> to vector<1024x768xf32>
    %sub3A_120 = arith.subf %add3A_111, %sub3A_119 : vector<1024x768xf32>
    %mul3A_121 = arith.mulf %sub3A_120, %sub3A_120 : vector<1024x768xf32>
    %convert_element_type3A_122 = arith.truncf %mul3A_121 : vector<1024x768xf32> to vector<1024x768xbf16>
    %dot_general3A_123 = arith.constant dense<0.000000e+00> : vector<1024x128xf32>
    %dot_general3A_124 = tpu.matmul %convert_element_type3A_122, %broadcast_in_dim3A_112, %dot_general3A_123 {dimension_numbers = #tpu.dot_dimension_numbers<[1], [0], [0], [1], [0, 0, 1, 1], [], []>, transpose_lhs_hint = false} : vector<1024x768xbf16>, vector<768x128xbf16>, vector<1024x128xf32> -> vector<1024x128xf32>
    %slice3A_125 = vector.extract_strided_slice %dot_general3A_124 {offsets = [0, 0], sizes = [1024, 1], strides = [1, 1]} : vector<1024x128xf32> to vector<1024x1xf32>
    %mul3A_126 = arith.constant 0.00130208337 : f32
    %mul3A_127 = vector.broadcast %mul3A_126 : f32 to vector<1024x1xf32>
    %mul3A_128 = arith.mulf %slice3A_125, %mul3A_127 : vector<1024x1xf32>
    %add3A_129 = arith.constant 9.99999996E-13 : f32
    %add3A_130 = vector.broadcast %add3A_129 : f32 to vector<1024x1xf32>
    %add3A_131 = arith.addf %mul3A_128, %add3A_130 : vector<1024x1xf32>
    %rsqrt3A = math.rsqrt %add3A_131 : vector<1024x1xf32>
    %mul3A_132 = vector.broadcast %rsqrt3A : vector<1024x1xf32> to vector<1024x768xf32>
    %mul3A_133 = arith.mulf %sub3A_120, %mul3A_132 : vector<1024x768xf32>
    %get3A_134 = arith.constant 0 : index
    %get3A_135 = arith.constant 0 : index
    %get3A_136 = vector.load %arg17[%get3A_134, %get3A_135] : memref<1x768xf32, #tpu.memory_space<vmem>>, vector<1x768xf32>
    %mul3A_137 = vector.broadcast %get3A_136 : vector<1x768xf32> to vector<1024x768xf32>
    %mul3A_138 = arith.mulf %mul3A_133, %mul3A_137 : vector<1024x768xf32>
    %get3A_139 = arith.constant 0 : index
    %get3A_140 = arith.constant 0 : index
    %get3A_141 = vector.load %arg18[%get3A_139, %get3A_140] : memref<1x768xf32, #tpu.memory_space<vmem>>, vector<1x768xf32>
    %add3A_142 = vector.broadcast %get3A_141 : vector<1x768xf32> to vector<1024x768xf32>
    %add3A_143 = arith.addf %mul3A_138, %add3A_142 : vector<1024x768xf32>
    %swap3A = arith.constant 0 : index
    %swap3A_144 = arith.constant 0 : index
    %swap3A_145 = vector.load %arg19[%swap3A, %swap3A_144] : memref<1024x768xf32, #tpu.memory_space<vmem>>, vector<1024x768xf32>
    tpu.vector_store %arg19[%swap3A, %swap3A_144], %add3A_143 {strides = array<i32>} : memref<1024x768xf32, #tpu.memory_space<vmem>>, vector<1024x768xf32>,
    return
  }
  func.func @transform_0(%arg0: i32) -> (i32, i32) {
    %rem3A = arith.constant 4 : i32
    %rem3A_0 = arith.remsi %arg0, %rem3A : i32
    %mul3A = arith.constant 2 : i32
    %mul3A_1 = arith.muli %rem3A_0, %mul3A : i32
    %div3A = arith.constant 4 : i32
    %div3A_2 = arith.divsi %arg0, %div3A : i32
    %add3A = arith.addi %mul3A_1, %div3A_2 : i32
    %c0_i32 = arith.constant 0 : i32
    %c0_i32_3 = arith.constant 0 : i32
    return %add3A, %c0_i32 : i32, i32
  }
  func.func @transform_1(%arg0: i32) -> (i32, i32, i32) {
    %rem3A = arith.constant 4 : i32
    %rem3A_0 = arith.remsi %arg0, %rem3A : i32
    %mul3A = arith.constant 2 : i32
    %mul3A_1 = arith.muli %rem3A_0, %mul3A : i32
    %div3A = arith.constant 4 : i32
    %div3A_2 = arith.divsi %arg0, %div3A : i32
    %add3A = arith.addi %mul3A_1, %div3A_2 : i32
    %c0_i32 = arith.constant 0 : i32
    %c0_i32_3 = arith.constant 0 : i32
    %c0_i32_4 = arith.constant 0 : i32
    return %add3A, %c0_i32, %c0_i32_3 : i32, i32, i32
  }
  func.func @transform_2(%arg0: i32) -> (i32, i32, i32) {
    %rem3A = arith.constant 4 : i32
    %rem3A_0 = arith.remsi %arg0, %rem3A : i32
    %mul3A = arith.constant 2 : i32
    %mul3A_1 = arith.muli %rem3A_0, %mul3A : i32
    %div3A = arith.constant 4 : i32
    %div3A_2 = arith.divsi %arg0, %div3A : i32
    %add3A = arith.addi %mul3A_1, %div3A_2 : i32
    %c0_i32 = arith.constant 0 : i32
    %c0_i32_3 = arith.constant 0 : i32
    %c0_i32_4 = arith.constant 0 : i32
    return %add3A, %c0_i32, %c0_i32_3 : i32, i32, i32
  }
  func.func @transform_3(%arg0: i32) -> (i32, i32, i32) {
    %rem3A = arith.constant 4 : i32
    %rem3A_0 = arith.remsi %arg0, %rem3A : i32
    %mul3A = arith.constant 2 : i32
    %mul3A_1 = arith.muli %rem3A_0, %mul3A : i32
    %div3A = arith.constant 4 : i32
    %div3A_2 = arith.divsi %arg0, %div3A : i32
    %add3A = arith.addi %mul3A_1, %div3A_2 : i32
    %c0_i32 = arith.constant 0 : i32
    %c0_i32_3 = arith.constant 0 : i32
    %c0_i32_4 = arith.constant 0 : i32
    return %add3A, %c0_i32, %c0_i32_3 : i32, i32, i32
  }
  func.func @transform_4(%arg0: i32) -> (i32, i32, i32) {
    %rem3A = arith.constant 4 : i32
    %rem3A_0 = arith.remsi %arg0, %rem3A : i32
    %mul3A = arith.constant 2 : i32
    %mul3A_1 = arith.muli %rem3A_0, %mul3A : i32
    %div3A = arith.constant 4 : i32
    %div3A_2 = arith.divsi %arg0, %div3A : i32
    %add3A = arith.addi %mul3A_1, %div3A_2 : i32
    %c0_i32 = arith.constant 0 : i32
    %c0_i32_3 = arith.constant 0 : i32
    %c0_i32_4 = arith.constant 0 : i32
    return %add3A, %c0_i32, %c0_i32_3 : i32, i32, i32
  }
  func.func @transform_5(%arg0: i32) -> (i32, i32) {
    %c0_i32 = arith.constant 0 : i32
    %c0_i32_0 = arith.constant 0 : i32
    %c0_i32_1 = arith.constant 0 : i32
    return %c0_i32, %c0_i32_0 : i32, i32
  }
  func.func @transform_6(%arg0: i32) -> (i32, i32) {
    %c0_i32 = arith.constant 0 : i32
    %c0_i32_0 = arith.constant 0 : i32
    %c0_i32_1 = arith.constant 0 : i32
    return %c0_i32, %c0_i32_0 : i32, i32
  }
  func.func @transform_7(%arg0: i32) -> (i32, i32) {
    %c0_i32 = arith.constant 0 : i32
    %c0_i32_0 = arith.constant 0 : i32
    %c0_i32_1 = arith.constant 0 : i32
    return %c0_i32, %c0_i32_0 : i32, i32
  }
  func.func @transform_8(%arg0: i32) -> (i32, i32) {
    %c0_i32 = arith.constant 0 : i32
    %c0_i32_0 = arith.constant 0 : i32
    %c0_i32_1 = arith.constant 0 : i32
    return %c0_i32, %c0_i32_0 : i32, i32
  }
  func.func @transform_9(%arg0: i32) -> (i32, i32) {
    %c0_i32 = arith.constant 0 : i32
    %c0_i32_0 = arith.constant 0 : i32
    %c0_i32_1 = arith.constant 0 : i32
    return %c0_i32, %c0_i32_0 : i32, i32
  }
  func.func @transform_10(%arg0: i32) -> (i32, i32) {
    %div3A = arith.constant 4 : i32
    %div3A_0 = arith.divsi %arg0, %div3A : i32
    %c0_i32 = arith.constant 0 : i32
    %c0_i32_1 = arith.constant 0 : i32
    return %div3A_0, %c0_i32 : i32, i32
  }
  func.func @transform_11(%arg0: i32) -> (i32, i32) {
    %c0_i32 = arith.constant 0 : i32
    %c0_i32_0 = arith.constant 0 : i32
    %c0_i32_1 = arith.constant 0 : i32
    return %c0_i32, %c0_i32_0 : i32, i32
  }
  func.func @transform_12(%arg0: i32) -> (i32, i32) {
    %c0_i32 = arith.constant 0 : i32
    %c0_i32_0 = arith.constant 0 : i32
    %c0_i32_1 = arith.constant 0 : i32
    return %c0_i32, %c0_i32_0 : i32, i32
  }
  func.func @transform_13(%arg0: i32) -> (i32, i32) {
    %c0_i32 = arith.constant 0 : i32
    %c0_i32_0 = arith.constant 0 : i32
    %c0_i32_1 = arith.constant 0 : i32
    return %c0_i32, %c0_i32_0 : i32, i32
  }
  func.func @transform_14(%arg0: i32) -> (i32, i32) {
    %c0_i32 = arith.constant 0 : i32
    %c0_i32_0 = arith.constant 0 : i32
    %c0_i32_1 = arith.constant 0 : i32
    return %c0_i32, %c0_i32_0 : i32, i32
  }
  func.func @transform_15(%arg0: i32) -> (i32, i32) {
    %c0_i32 = arith.constant 0 : i32
    %c0_i32_0 = arith.constant 0 : i32
    %c0_i32_1 = arith.constant 0 : i32
    return %c0_i32, %c0_i32_0 : i32, i32
  }
  func.func @transform_16(%arg0: i32) -> (i32, i32) {
    %c0_i32 = arith.constant 0 : i32
    %c0_i32_0 = arith.constant 0 : i32
    %c0_i32_1 = arith.constant 0 : i32
    return %c0_i32, %c0_i32_0 : i32, i32
  }
  func.func @transform_17(%arg0: i32) -> (i32, i32) {
    %c0_i32 = arith.constant 0 : i32
    %c0_i32_0 = arith.constant 0 : i32
    %c0_i32_1 = arith.constant 0 : i32
    return %c0_i32, %c0_i32_0 : i32, i32
  }
  func.func @transform_18(%arg0: i32) -> (i32, i32) {
    %rem3A = arith.constant 4 : i32
    %rem3A_0 = arith.remsi %arg0, %rem3A : i32
    %mul3A = arith.constant 2 : i32
    %mul3A_1 = arith.muli %rem3A_0, %mul3A : i32
    %div3A = arith.constant 4 : i32
    %div3A_2 = arith.divsi %arg0, %div3A : i32
    %add3A = arith.addi %mul3A_1, %div3A_2 : i32
    %c0_i32 = arith.constant 0 : i32
    %c0_i32_3 = arith.constant 0 : i32
    return %add3A, %c0_i32 : i32, i32
  }
}

</mosaic_0001>

<sc_bundles>
// kernel: kernel.4.cloned.1.call-start
scs
__scs_entry_jumppad:
0x0: {  	(pc) =	sbr.rel $0x88, $3  }
0x1: {  	(tag) =	ssettag $0x0;
	lr =	simm.s32 $0x1  }
0x2: {  	[smem:$0x3F92] =	sst lr;
	_ =	strace $0xD0000000  }
0x3: {  	_ = 	snop  }
0x4: {  	_ = 	snop  }
0x5: {  	_ = 	snop  }
0x6: {  	_ = 	snop  }
0x7: {  	_ = 	snop  }
__scs_overlays_trampoline_lowered:
0x8: {  	[smem:$0x3FA1] =	sst s0  }
0x9: {  	[smem:$0x3FA2] =	sst s1  }
0xa: {  	[smem:$0x3FA3] =	sst s2  }
0xb: {  	[smem:$0x3FA4] =	sst s3  }
0xc: {  	[smem:$0x3FA5] =	sst s4  }
0xd: {  	[smem:$0x3FA6] =	sst s5  }
0xe: {  	[smem:$0x3FA7] =	sst s6  }
0xf: {  	[smem:$0x3FA8] =	sst s7  }
0x10: {  	[smem:$0x3FA9] =	sst s8  }
0x11: {  	[smem:$0x3FAA] =	sst s9;
	s0 =	simm.s32 @!p0 $0x0  }
0x12: {  	s1 =	sld [smem:$0x3F90];
	s0 =	simm.s32 @p0 $0x1  }
0x13: {  	[smem:$0x3FAB] =	sst s0;
	s0 =	simm.s32 @!p1 $0x0  }
0x14: {  	s2 =	sld [smem:$0x3F8F];
	s0 =	simm.s32 @p1 $0x1  }
0x15: {  	[smem:$0x3FAC] =	sst s0;
	s0 =	simm.s32 @!p2 $0x0  }
0x16: {  	s3 =	sld [smem:$0x3FDB];
	s0 =	simm.s32 @p2 $0x1  }
0x17: {  	s4 =	simm.s32 $0x1BF5;
	[smem:$0x3FAE] =	sst s0  }
0x18: {  	s0 =	sld [smem:$0x3F91];
	_ =	swait.ge [sflag:s4], $0x0  }
0x19: {  	s7 =	sld [smem:$0x3F92]  }
0x1a: {  	s8 =	sadd.s32 $0xFFFFE003, lr  }
0x1b: {  	s9 =	sadd.s32 $0xFFFFFEF7, lr;
	s5 =	simm.s32 $0xFFFFFFFF;
	p2 =	slt.u32 s8, $0xFFFFF086  }
0x1c: {  	p1 =	slt.u32 s9, $0xF7A;
	s5 =	simm.s32 @!p2 $0x0  }
0x1d: {  	s5 =	simm.s32 @p1 $0x1;
	p0 =	seq.s32 s7, s2  }
0x1e: {  	s7 =	smul.u32 @!p0 $0xF7A, s2;
	p2 =	seq.s32 @!p0 s5, $0x0  }
0x1f: {  	s9 =	smul.u32 $0xF7A, s1;
	s8 =	simm.s32 @!p0 $0x1BF5;
	p2 =	por !p2, p0  }
0x20: {  	[sflag:s8] =	ssyncset.s32 @!p0 $0xFFFFF086;
	s6 =	sadd.s32 @!p0 s3, s7;
	s7 =	simm.s32 @!p0 $0x108  }
0x21: {  	s3 =	sadd.s32 s3, s9;
	s6 =	sadd.s32 @!p0 $0x88, s6;
	s7 =	simm.s32 @p2 $0x1082  }
0x22: {  	[simem:s7], [sflag:s8] =	dma.local @!p0 [hbm:s6], $0xF7A  }
0x23: {  	s9 =	sor.u32 $0xD0000000, s2;
	s6 =	simm.s32 $0x108;
	_ =	swait.ge @!p0 [sflag:s8], $0x0  }
0x24: {  	s3 =	sadd.s32 $0x88, s3;
	s6 =	simm.s32 @!p1 $0x1082;
	[sflag:s4] =	ssyncset.s32 $0xFFFFF086  }
0x25: {  	[simem:s6], [sflag:s4] =	dma.local [hbm:s3], $0xF7A  }
0x26: {  	[smem:$0x3F92] =	sst s1;
	(tag) =	ssettag s2;
	_ =	strace s9  }
0x27: {  	s1 =	sld [smem:$0x3FA2]  }
0x28: {  	s2 =	sld [smem:$0x3FA3]  }
0x29: {  	s4 =	sld [smem:$0x3FA5]  }
0x2a: {  	p0 =	seq.s32 s5, $0x0;
	s5 =	sld [smem:$0x3FA6]  }
0x2b: {  	s6 =	sld [smem:$0x3FA7]  }
0x2c: {  	s7 =	sld [smem:$0x3FA8]  }
0x2d: {  	s3 =	simm.s32 $0x108;
	s8 =	sld [smem:$0x3FA9]  }
0x2e: {  	s3 =	simm.s32 @!p0 $0x1082;
	s9 =	sld [smem:$0x3FAA]  }
0x2f: {  	lr =	sadd.s32 s0, s3;
	s0 =	sld [smem:$0x3FA1]  }
0x30: {  	s3 =	sld [smem:$0x3FA4]  }
0x31: {  	[smem:$0x3FAD] =	sst s10  }
0x32: {  	s10 =	sld [smem:$0x3FAB];
	_ =	sdelay $0x3  }
0x33: {  	p0 =	seq.s32 s10, $0x1;
	s10 =	sld [smem:$0x3FAD];
	_ =	sdelay $0x3  }
0x34: {  	[smem:$0x3FAD] =	sst s10  }
0x35: {  	s10 =	sld [smem:$0x3FAC];
	_ =	sdelay $0x3  }
0x36: {  	p1 =	seq.s32 s10, $0x1;
	s10 =	sld [smem:$0x3FAD];
	_ =	sdelay $0x3  }
0x37: {  	[smem:$0x3FAD] =	sst s10  }
0x38: {  	s10 =	sld [smem:$0x3FAE]  }
0x39: {  	_ = 	snop;
	(pc) =	sbr.ind lr, $3  }
0x3a: {  	_ = 	snop  }
0x3b: {  	_ = 	snop  }
0x3c: {  	p2 =	seq.s32 s10, $0x1;
	s10 =	sld [smem:$0x3FAD]  }
0x3d: {  	_ =	shalt  }
0x3e: {  	_ =	shalt  }
0x3f: {  	_ =	shalt  }
0x40: {  	_ =	shalt  }
0x41: {  	_ =	shalt  }
0x42: {  	_ =	shalt  }
0x43: {  	_ =	shalt  }
0x44: {  	_ =	shalt  }
0x45: {  	_ =	shalt  }
0x46: {  	_ =	shalt  }
0x47: {  	_ =	shalt  }
0x48: {  	_ =	shalt  }
0x49: {  	_ =	shalt  }
0x4a: {  	_ =	shalt  }
0x4b: {  	_ =	shalt  }
0x4c: {  	_ =	shalt  }
0x4d: {  	_ =	shalt  }
0x4e: {  	_ =	shalt  }
0x4f: {  	_ =	shalt  }
0x50: {  	_ =	shalt  }
0x51: {  	_ =	shalt  }
0x52: {  	_ =	shalt  }
0x53: {  	_ =	shalt  }
0x54: {  	_ =	shalt  }
0x55: {  	_ =	shalt  }
0x56: {  	_ =	shalt  }
0x57: {  	_ =	shalt  }
0x58: {  	_ =	shalt  }
0x59: {  	_ =	shalt  }
0x5a: {  	_ =	shalt  }
0x5b: {  	_ =	shalt  }
0x5c: {  	_ =	shalt  }
0x5d: {  	_ =	shalt  }
0x5e: {  	_ =	shalt  }
0x5f: {  	_ =	shalt  }
0x60: {  	_ =	shalt  }
0x61: {  	_ =	shalt  }
0x62: {  	_ =	shalt  }
0x63: {  	_ =	shalt  }
0x64: {  	_ =	shalt  }
0x65: {  	_ =	shalt  }
0x66: {  	_ =	shalt  }
0x67: {  	_ =	shalt  }
0x68: {  	_ =	shalt  }
0x69: {  	_ =	shalt  }
0x6a: {  	_ =	shalt  }
0x6b: {  	_ =	shalt  }
0x6c: {  	_ =	shalt  }
0x6d: {  	_ =	shalt  }
0x6e: {  	_ =	shalt  }
0x6f: {  	_ =	shalt  }
0x70: {  	_ =	shalt  }
0x71: {  	_ =	shalt  }
0x72: {  	_ =	shalt  }
0x73: {  	_ =	shalt  }
0x74: {  	_ =	shalt  }
0x75: {  	_ =	shalt  }
0x76: {  	_ =	shalt  }
0x77: {  	_ =	shalt  }
0x78: {  	_ =	shalt  }
0x79: {  	_ =	shalt  }
0x7a: {  	_ =	shalt  }
0x7b: {  	_ =	shalt  }
0x7c: {  	_ =	shalt  }
0x7d: {  	_ =	shalt  }
0x7e: {  	_ =	shalt  }
0x7f: {  	_ =	shalt  }
0x80: {  	_ =	shalt  }
0x81: {  	_ =	shalt  }
0x82: {  	_ =	shalt  }
0x83: {  	_ =	shalt  }
0x84: {  	_ =	shalt  }
0x85: {  	_ =	shalt  }
0x86: {  	_ =	shalt  }
0x87: {  	_ =	shalt  }
.Lfunc_end0:
.L_simem_size_0:
called_computation_lowered:
.L_overlay_start_0:
0x88: {  	s2 =	sld [smem:$0x3FD9]  }
0x89: {  	s3 =	sld [smem:$0x3FFE];
	_ =	sdelay $0x1  }
0x8a: {  	s1 =	srdreg.scid  }
0x8b: {  	s0 =	sand.u32 $0x1, s1  }
0x8c: {  	s17 =	sshll.u32 s0, $0xA;
	s2 =	sadd.s32 s3, s2  }
0x8d: {  	s2 =	sadd.s32 s2, s17  }
0x8e: {  	[smem:$0x3FB9] =	sst s2  }
0x8f: {  	_ = 	snop  }
0x90: {  	s2 =	sld [smem:$0x3FC7]  }
0x91: {  	s18 =	sld [smem:$0x3FD0];
	(tm) =	ssettm $0x1  }
0x92: {  	s4 =	sld [smem:$0x3FFB];
	_ =	sdelay $0x3  }
0x93: {  	_ =	strace s4  }
0x94: {  	s4 =	sld [smem:$0x3FFC];
	_ =	sdelay $0x3  }
0x95: {  	_ =	strace s4  }
0x96: {  	s4 =	sld [smem:$0x3FFD];
	_ =	sdelay $0x3  }
0x97: {  	_ =	strace s4  }
0x98: {  	_ =	strace $0x8FFFFFFF  }
0x99: {  	s19 =	sld [smem:$0x3FDB];
	_ =	sdelay $0x1  }
0x9a: {  	s5 =	simm.s32 $_scs_section_size  }
0x9b: {  	s6 =	simm.s32 $_size__tile_overlayer_lowered;
	s7 =	simm.s32 $_tile_overlayer_lowered  }
0x9c: {  	s22 =	simm.s32 $0x1BFF;
	s21 =	sshll.u32 s7, $0x1;
	s4 =	sadd.s32 s5, s19  }
0x9d: {  	s8 =	simm.s32 $0x0;
	s20 =	sshll.u32 s6, $0x1;
	s6 =	sadd.s32 s21, s4  }
0x9e: {  	[timem:s8], [sflag:s22] =	dma.local [hbm:s6], s20  }
0x9f: {  	_ =	swait.ge [sflag:s22], s20  }
0xa0: {  	s5 =	ssub.s32 $0x0, s20;
	[sflag:s22] =	ssyncset.done $0x0  }
0xa1: {  	[sflag:s22] =	ssyncadd.s32 s5;
	_ =	sdelay $0x1  }
0xa2: {  	s23 =	simm.s32 $0x1B8B  }
0xa3: {  	_ =	swait.ge [sflag:s23], $0x1  }
0xa4: {  	[sflag:s23] =	ssyncset.done $0x0  }
0xa5: {  	s25 =	simm.s32 $0x1B8E;
	s24 =	sld [smem:$0x3FFE];
	[sflag:s23] =	ssyncadd.s32 $0xFFFFFFFF  }
0xa6: {  	s26 =	simm.s32 $execute0_lowered;
	[smem:$0x3FD2] =	sst s25  }
0xa7: {  	s6 =	sshll.u32 s26, $0x1;
	_ =	strace $0x80000046;
	[dreg:$0x1] =	wrdreg $0xFFFFFFFF  }
0xa8: {  	s28 =	simm.s32 $_size_execute0_lowered;
	s4 =	sadd.s32 s4, s6;
	[dreg:$0x0] =	wrdreg $0x0  }
0xa9: {  	s6 =	sshll.u32 s28, $0x1;
	[dreg:$0x2] =	wrdreg s4  }
0xaa: {  	[dreg:$0x3] =	wrdreg s6  }
0xab: {  	[dreg:$0x4] =	wrdreg $0xC0  }
0xac: {  	_ =	task [dreg:s8], $0x5FFFF  }
0xad: {  	[dreg:$0x1] =	wrdreg $0xFFFFFFFF  }
0xae: {  	[dreg:$0x0] =	wrdreg $0x60  }
0xaf: {  	[dreg:$0x2] =	wrdreg s18  }
0xb0: {  	[dreg:$0x3] =	wrdreg s2  }
0xb1: {  	[dreg:$0x4] =	wrdreg s24  }
0xb2: {  	[dreg:$0x5] =	wrdreg $0x9  }
0xb3: {  	_ =	task.clear_ibuf [dreg:s8], $0x6FFFF;
	_ =	strace $0x90000046  }
0xb4: {  	s29 =	simm.s32 $0x9;
	_ =	strace $0x80000048  }
0xb5: {  	_ =	swait.ge [sflag:s29], $0x1  }
0xb6: {  	[sflag:s29] =	ssyncadd.s32 $0xFFFFFFFF  }
0xb7: {  	_ =	strace $0x90000048  }
0xb8: {  	_ =	sfence  }
0xb9: {  	s30 =	sld [smem:$0x0];
	_ =	sdelay $0x2  }
0xba: {  	s31 =	sshll.u32 s1, $0xD;
	s1 =	sshrl.u32 s1, $0x2  }
0xbb: {  	s3 =	sand.u32 $0x4000, s31;
	s1 =	sadd.s32 s1, s30  }
0xbc: {  	s0 =	sor.u32 s3, s0;
	s1 =	sshll.u32 s1, $0x11  }
0xbd: {  	s0 =	sor.u32 s1, s0  }
0xbe: {  	s0 =	sadd.s32 $0x8F2B, s0  }
0xbf: {  	[sflag:s0] =	ssyncadd.remote.s32 $0x1  }
0xc0: {  	_ =	sfence.sel $0xFFFF  }
0xc1: {  	[dreg:$0x0] =	wrdreg $0xFFFFFFFF;
	(pc) =	sbr.abs _section_cstart, $3  }
0xc2: {  	[dreg:$0x1] =	wrdreg $0xFFFFFFFF  }
0xc3: {  	_ =	task.clear_ibuf [dreg:s8], $0x2FFFF;
	_ =	strace $0x9FFFFFFF  }
0xc4: {  	(tm) =	ssettm $0x7FFFFFFF  }
0xc5: {  	_ =	shalt  }
tec
execute0_lowered:
.L_overlay_start_1:
0x0: {  	(tag) =	ssettag $0x1  }
0x1: {  	s1 =	srdreg.scid;
	s4 =	rddreg [dreg:$0x0]  }
0x2: {  	s0 =	stileid.u32;
	s2 =	rddreg [dreg:$0x1]  }
0x3: {  	s6 =	rddreg [dreg:$0x2];
	s11 =	simm.s32 $0x5;
	s12 =	simm.s32 $0x100  }
0x4: {  	s13 =	simm.s32 $0x900;
	s14 =	simm.s32 $0x1100;
	s15 =	simm.s32 $0x1900  }
0x5: {  	s16 =	simm.s32 $0x2100;
	s17 =	simm.s32 $0x2900;
	s18 =	simm.s32 $0x3100  }
0x6: {  	s19 =	simm.s32 $0x3900;
	s20 =	simm.s32 $0x4100;
	s21 =	simm.s32 $0x4900  }
0x7: {  	s22 =	simm.s32 $0x5100;
	s23 =	simm.s32 $0x5900;
	s24 =	simm.s32 $0x1  }
0x8: {  	s25 =	simm.s32 $0x3;
	s26 =	simm.s32 $0x2;
	s5 =	sand.u32 $0x1, s1  }
0x9: {  	s28 =	simm.s32 $0x4;
	s30 =	sshll.u32 s0, $0x9;
	s3 =	sshll.u32 s5, $0x8  }
0xa: {  	s29 =	simm.s32 $0x0;
	s5 =	ssub.s32 $0x2, s5;
	s7 =	sor.u32 s3, s30  }
0xb: {  	s3 =	simm.s32 $0x0;
	s9 =	sshrl.u32 s5, $0x1;
	s7 =	sshrl.u32 s7, $0x3  }
0xc: {  	[smem:$0x7FF] =	sst s3;
	s31 =	ssub.s32 s5, s9;
	s8 =	smul.u32 $0x300, s7  }
0xd: {  	v2 =	vlaneseq.u32;
	s5 =	sadd.s32 $0x100, s2;
	_ =	strace $0x80000047;
	s4 =	sadd.s32 s4, s7  }
0xe: {  	vm0 =	vmmov $0xffff;
	v1 =	vshrl.u32 v2, $0x3;
	s7 =	smax.u32 s31, $0x1;
	s10 =	sadd.s32 s8, s6;
	s6 =	sadd.s32 $0x200, s2  }
0xf: {  	v0 =	vand.u32 $0x7, v2;
	v2 =	vor.u32 $0x8, v2;
	v1 =	vmul.u32 $0x8, v1;
	s8 =	sadd.s32 $0x6800, s10;
	s9 =	sadd.s32 $0x6E00, s10;
	s10 =	sadd.s32 $0x1A00, s10  }
.LBB2_1:
0x10: {  	[tilespmem:s3], [sflag:$0x5] =	stream.linear.gather [hbm4b:s4+s3], $0x100, $0x38;
	[tilespmem:$0x6100] =	vst v63  }
0x11: {  	_ =	swait.ge [sflag:s11], $0x100  }
0x12: {  	[sflag:s11] =	ssyncset.done $0x0  }
0x13: {  	[sflag:s11] =	ssyncadd.s32 $0xFFFFFF00  }
0x14: {  	v3 =	vld [tilespmem:$0x0];
	_ =	sdelay $0x4  }
0x15: {  	v4 =	vshrl.u32 v3, $0x3  }
0x16: {  	v4 =	vmul.u32 $0x30, v4  }
0x17: {  	v3 =	vand.u32 $0x7, v3  }
0x18: {  	v3 =	vor.u32 v3, v4  }
0x19: {  	v4 =	vperm.xlane v3, v0;
	_ =	sdelay $0x1  }
0x1a: {  	v4 =	vadd.s32 v1, v4;
	_ =	sdelay $0x3  }
0x1b: {  	v3 =	vperm.xlane v3, v2  }
0x1c: {  	[tilespmem:s12], [sflag:$0x1] =	stream.indirect_vreg.gather [hbm4b:s2+s3], $0x80, v4, vm0, $0xb8;
	[tilespmem:$0x6100] =	vst v63  }
0x1d: {  	v3 =	vadd.s32 v1, v3  }
0x1e: {  	[tilespmem:s13], [sflag:$0x1] =	stream.indirect_vreg.gather [hbm4b:s5+s3], $0x80, v4, vm0, $0xb8;
	[tilespmem:$0x6100] =	vst v63  }
0x1f: {  	_ = 	snop  }
0x20: {  	[tilespmem:s14], [sflag:$0x1] =	stream.indirect_vreg.gather [hbm4b:s6+s3], $0x80, v4, vm0, $0xb8;
	[tilespmem:$0x6100] =	vst v63  }
0x21: {  	_ = 	snop  }
0x22: {  	[tilespmem:s15], [sflag:$0x1] =	stream.indirect_vreg.gather [hbm4b:s2+s3], $0x80, v3, vm0, $0xb8;
	[tilespmem:$0x6100] =	vst v63  }
0x23: {  	_ = 	snop  }
0x24: {  	[tilespmem:s16], [sflag:$0x1] =	stream.indirect_vreg.gather [hbm4b:s5+s3], $0x80, v3, vm0, $0xb8;
	[tilespmem:$0x6100] =	vst v63  }
0x25: {  	_ = 	snop  }
0x26: {  	[tilespmem:s17], [sflag:$0x1] =	stream.indirect_vreg.gather [hbm4b:s6+s3], $0x80, v3, vm0, $0xb8;
	[tilespmem:$0x6100] =	vst v63  }
0x27: {  	v3 =	vld [tilespmem:$0x10];
	_ =	sdelay $0x4  }
0x28: {  	v63 =	vshrl.u32 v3, $0x3  }
0x29: {  	v4 =	vmul.u32 $0x30, v63  }
0x2a: {  	v3 =	vand.u32 $0x7, v3  }
0x2b: {  	v3 =	vor.u32 v3, v4  }
0x2c: {  	v4 =	vperm.xlane v3, v0;
	_ =	sdelay $0x1  }
0x2d: {  	v4 =	vadd.s32 v1, v4;
	_ =	sdelay $0x3  }
0x2e: {  	v3 =	vperm.xlane v3, v2  }
0x2f: {  	[tilespmem:s18], [sflag:$0x2] =	stream.indirect_vreg.gather [hbm4b:s2+s3], $0x80, v4, vm0, $0xb8;
	[tilespmem:$0x6100] =	vst v63  }
0x30: {  	v3 =	vadd.s32 v1, v3  }
0x31: {  	[tilespmem:s19], [sflag:$0x2] =	stream.indirect_vreg.gather [hbm4b:s5+s3], $0x80, v4, vm0, $0xb8;
	[tilespmem:$0x6100] =	vst v63  }
0x32: {  	_ = 	snop  }
0x33: {  	[tilespmem:s20], [sflag:$0x2] =	stream.indirect_vreg.gather [hbm4b:s6+s3], $0x80, v4, vm0, $0xb8;
	[tilespmem:$0x6100] =	vst v63  }
0x34: {  	_ = 	snop  }
0x35: {  	[tilespmem:s21], [sflag:$0x2] =	stream.indirect_vreg.gather [hbm4b:s2+s3], $0x80, v3, vm0, $0xb8;
	[tilespmem:$0x6100] =	vst v63  }
0x36: {  	_ = 	snop  }
0x37: {  	[tilespmem:s22], [sflag:$0x2] =	stream.indirect_vreg.gather [hbm4b:s5+s3], $0x80, v3, vm0, $0xb8;
	[tilespmem:$0x6100] =	vst v63  }
0x38: {  	s30 =	smov.u32 s10;
	s31 =	simm.s32 $0x0  }
0x39: {  	[tilespmem:s23], [sflag:$0x2] =	stream.indirect_vreg.gather [hbm4b:s6+s3], $0x80, v3, vm0, $0xb8;
	[tilespmem:$0x6100] =	vst v63  }
.LBB2_2:
0x3a: {  	_ =	swait.ge [sflag:s24], $0x3000  }
0x3b: {  	[sflag:s24] =	ssyncset.done $0x0  }
0x3c: {  	s1 =	sadd.s32 $0xFFFFFA00, s30;
	[sflag:s24] =	ssyncadd.s32 $0xFFFFD000  }
0x3d: {  	[hbm4b:s1+s3] =	stream.linear.scatter [tilespmem:s12], [sflag:$0x3], $0x3000, $0x38;
	[tilespmem:$0x6100] =	vst v63  }
0x3e: {  	_ =	swait.ge [sflag:s25], $0x3000  }
0x3f: {  	[sflag:s25] =	ssyncset.done $0x0  }
0x40: {  	s1 =	sshra.s32 s31, $0x2;
	[sflag:s25] =	ssyncadd.s32 $0xFFFFD000  }
0x41: {  	v3 =	vld [tilespmem:s1+$0x20];
	_ =	sdelay $0x4  }
0x42: {  	v4 =	vshrl.u32 v3, $0x3  }
0x43: {  	v4 =	vmul.u32 $0x30, v4  }
0x44: {  	v3 =	vand.u32 $0x7, v3  }
0x45: {  	v3 =	vor.u32 v3, v4  }
0x46: {  	v4 =	vperm.xlane v3, v0;
	_ =	sdelay $0x1  }
0x47: {  	v4 =	vadd.s32 v1, v4;
	_ =	sdelay $0x3  }
0x48: {  	v3 =	vperm.xlane v3, v2  }
0x49: {  	[tilespmem:s12], [sflag:$0x1] =	stream.indirect_vreg.gather [hbm4b:s2+s3], $0x80, v4, vm0, $0xb8;
	[tilespmem:$0x6100] =	vst v63  }
0x4a: {  	v3 =	vadd.s32 v1, v3  }
0x4b: {  	[tilespmem:s13], [sflag:$0x1] =	stream.indirect_vreg.gather [hbm4b:s5+s3], $0x80, v4, vm0, $0xb8;
	[tilespmem:$0x6100] =	vst v63  }
0x4c: {  	_ = 	snop  }
0x4d: {  	[tilespmem:s14], [sflag:$0x1] =	stream.indirect_vreg.gather [hbm4b:s6+s3], $0x80, v4, vm0, $0xb8;
	[tilespmem:$0x6100] =	vst v63  }
0x4e: {  	_ = 	snop  }
0x4f: {  	[tilespmem:s15], [sflag:$0x1] =	stream.indirect_vreg.gather [hbm4b:s2+s3], $0x80, v3, vm0, $0xb8;
	[tilespmem:$0x6100] =	vst v63  }
0x50: {  	_ = 	snop  }
0x51: {  	[tilespmem:s16], [sflag:$0x1] =	stream.indirect_vreg.gather [hbm4b:s5+s3], $0x80, v3, vm0, $0xb8;
	[tilespmem:$0x6100] =	vst v63  }
0x52: {  	_ = 	snop  }
0x53: {  	[tilespmem:s17], [sflag:$0x1] =	stream.indirect_vreg.gather [hbm4b:s6+s3], $0x80, v3, vm0, $0xb8;
	[tilespmem:$0x6100] =	vst v63  }
0x54: {  	_ =	swait.ge [sflag:s26], $0x3000  }
0x55: {  	[sflag:s26] =	ssyncset.done $0x0  }
0x56: {  	[sflag:s26] =	ssyncadd.s32 $0xFFFFD000  }
0x57: {  	[hbm4b:s30+s3] =	stream.linear.scatter [tilespmem:s18], [sflag:$0x4], $0x3000, $0x38;
	[tilespmem:$0x6100] =	vst v63  }
0x58: {  	_ =	swait.ge [sflag:s28], $0x3000  }
0x59: {  	[sflag:s28] =	ssyncset.done $0x0  }
0x5a: {  	[sflag:s28] =	ssyncadd.s32 $0xFFFFD000  }
0x5b: {  	v3 =	vld [tilespmem:s1+$0x30];
	_ =	sdelay $0x4  }
0x5c: {  	v63 =	vshrl.u32 v3, $0x3  }
0x5d: {  	v4 =	vmul.u32 $0x30, v63  }
0x5e: {  	v3 =	vand.u32 $0x7, v3  }
0x5f: {  	v3 =	vor.u32 v3, v4  }
0x60: {  	v4 =	vperm.xlane v3, v0;
	_ =	sdelay $0x1  }
0x61: {  	v4 =	vadd.s32 v1, v4;
	_ =	sdelay $0x3  }
0x62: {  	v3 =	vperm.xlane v3, v2  }
0x63: {  	[tilespmem:s18], [sflag:$0x2] =	stream.indirect_vreg.gather [hbm4b:s2+s3], $0x80, v4, vm0, $0xb8;
	[tilespmem:$0x6100] =	vst v63  }
0x64: {  	v3 =	vadd.s32 v1, v3  }
0x65: {  	[tilespmem:s19], [sflag:$0x2] =	stream.indirect_vreg.gather [hbm4b:s5+s3], $0x80, v4, vm0, $0xb8;
	[tilespmem:$0x6100] =	vst v63  }
0x66: {  	_ = 	snop  }
0x67: {  	[tilespmem:s20], [sflag:$0x2] =	stream.indirect_vreg.gather [hbm4b:s6+s3], $0x80, v4, vm0, $0xb8;
	[tilespmem:$0x6100] =	vst v63  }
0x68: {  	p0 =	sne.s32 s31, $0x300  }
0x69: {  	[tilespmem:s21], [sflag:$0x2] =	stream.indirect_vreg.gather [hbm4b:s2+s3], $0x80, v3, vm0, $0xb8;
	[tilespmem:$0x6100] =	vst v63  }
.Ltmp0:
0x6a: {  	_ = 	snop;
	(pc) =	sbr.rel @p0 .LBB2_2-.Ltmp0, $4  }
0x6b: {  	_ = 	snop  }
0x6c: {  	[tilespmem:s22], [sflag:$0x2] =	stream.indirect_vreg.gather [hbm4b:s5+s3], $0x80, v3, vm0, $0xb8;
	[tilespmem:$0x6100] =	vst v63  }
0x6d: {  	s31 =	sadd.s32 $0x80, s31;
	s30 =	sadd.s32 $0xC00, s30  }
0x6e: {  	[tilespmem:s23], [sflag:$0x2] =	stream.indirect_vreg.gather [hbm4b:s6+s3], $0x80, v3, vm0, $0xb8;
	[tilespmem:$0x6100] =	vst v63  }
0x6f: {  	_ =	swait.ge [sflag:s24], $0x3000  }
0x70: {  	[sflag:s24] =	ssyncset.done $0x0  }
0x71: {  	[sflag:s24] =	ssyncadd.s32 $0xFFFFD000  }
0x72: {  	[hbm4b:s8+s3] =	stream.linear.scatter [tilespmem:s12], [sflag:$0x3], $0x3000, $0x38;
	[tilespmem:$0x6100] =	vst v63  }
0x73: {  	_ =	swait.ge [sflag:s25], $0x3000  }
0x74: {  	[sflag:s25] =	ssyncset.done $0x0  }
0x75: {  	[sflag:s25] =	ssyncadd.s32 $0xFFFFD000  }
0x76: {  	s29 =	sadd.s32 $0x1, s29;
	_ =	swait.ge [sflag:s26], $0x3000  }
0x77: {  	p0 =	sne.s32 s29, s7;
	[sflag:s26] =	ssyncset.done $0x0  }
.Ltmp1:
0x78: {  	[sflag:s26] =	ssyncadd.s32 $0xFFFFD000;
	(pc) =	sbr.rel @p0 .LBB2_1-.Ltmp1, $4  }
0x79: {  	[hbm4b:s9+s3] =	stream.linear.scatter [tilespmem:s18], [sflag:$0x4], $0x3000, $0x38;
	[tilespmem:$0x6100] =	vst v63  }
0x7a: {  	_ =	swait.ge [sflag:s28], $0x3000  }
0x7b: {  	[sflag:s28] =	ssyncset.done $0x0  }
0x7c: {  	[sflag:s28] =	ssyncadd.s32 $0xFFFFD000  }
0x7d: {  	_ =	sfence.sel $0x180000  }
0x7e: {  	[bflag:$0x0] =	sbarrier.arrive $0xFFFF  }
0x7f: {  	_ =	strace $0x90000047  }
0x80: {  	[bflag:$0x2] =	sbarrier.arrive $0xFFFF  }
0x81: {  	p0 =	sne.s32 s0, $0x0;
	s0 =	rddreg [dreg:$0x3]  }
0x82: {  	s0 =	sadd.s32 @!p0 $0x100000, s0  }
0x83: {  	[sflag:s0] =	ssyncadd.tile.s32 @!p0 $0x1;
	_ =	shalt  }
.Lfunc_end2:
_tile_overlayer_lowered:
.L_overlay_start_2:
0x84: {  	(tag) =	ssettag $0x2  }
0x85: {  	s0 =	rddreg [dreg:$0x0];
	s2 =	stileid.u32  }
0x86: {  	s1 =	rddreg [dreg:$0x1];
	p0 =	sne.s32 s2, $0x0  }
0x87: {  	s3 =	rddreg [dreg:$0x2];
	[bflag:$0x3] =	sbarrier.arrive $0xFFFF;
	s2 =	simm.s32 @!p0 $0x1C05  }
0x88: {  	[timem:s3], [sflag:s2] =	dma.local @!p0 [hbm:s0], s1  }
0x89: {  	s0 =	simm.s32 @!p0 $0x5  }
0x8a: {  	_ =	swait.ge @!p0 [sflag:s0], s1  }
0x8b: {  	s1 =	ssub.s32 @!p0 $0x0, s1;
	[sflag:s0] =	ssyncset.done @!p0 $0x0  }
0x8c: {  	[sflag:s0] =	ssyncadd.s32 @!p0 s1  }
0x8d: {  	[bflag:$0x3] =	sbarrier.arrive $0xFFFF  }
0x8e: {  	_ =	shalt  }

</sc_bundles>
